<compile_context>
chip_gen: v7x
topology: tpu7x:2x2x1
jax: 0.10.2.dev20260603
libtpu: 0.0.44.dev20260713+nightly
codegen_flags: <defaults>
</compile_context>

<pallas_src>
import functools

import jax
import jax.numpy as jnp
from jax.experimental import pallas as pl

STATE_DIM = 256
POCKET_DIM = 64
MAX_STATES = 64
MIN_STATES = 16
B = 1024
N_POCKET = 512
NP = N_POCKET * POCKET_DIM

B_TILE = 128
N_CHUNKS = 4
B_CHUNK = B // N_CHUNKS


def _prep_kernel(mol, base, sW1, sb1, sW2, sb2, dW1, db1, dW2, db2,
                 probs_out, p16_out, s3_out):
    h = jax.nn.silu(
        jnp.dot(mol[...], sW1[...], preferred_element_type=jnp.float32)
        + sb1[...])
    logits = (jnp.dot(h, sW2[...], preferred_element_type=jnp.float32)
              + sb2[...])
    col = jax.lax.broadcasted_iota(jnp.int32, logits.shape, 1)
    masked = jnp.where(col < MIN_STATES, logits, -jnp.inf)
    m = jnp.max(masked, axis=1, keepdims=True)
    e = jnp.exp(masked - m)
    p = e / jnp.sum(e, axis=1, keepdims=True)
    probs_out[...] = p
    p16_out[...] = p[:, :MIN_STATES]

    base_v = base[...]
    for k in range(MIN_STATES):
        h1 = jax.nn.silu(
            jnp.dot(base_v, dW1[k], preferred_element_type=jnp.float32)
            + db1[k:k + 1, :])
        d = (jnp.dot(h1, dW2[k], preferred_element_type=jnp.float32)
             + db2[k:k + 1, :])
        s3_out[k, :, :] = base_v + 0.1 * d


def _mix_kernel(p16, s2, out):
    out[...] = jnp.dot(p16[...], s2[...], preferred_element_type=jnp.float32)


@functools.partial(jax.jit, static_argnames=())
def kernel(mol_embedding, base_pocket, sel_W1, sel_b1, sel_W2, sel_b2,
           def_W1, def_b1, def_W2, def_b2):
    probs, p16, s3 = pl.pallas_call(
        _prep_kernel,
        out_shape=[
            jax.ShapeDtypeStruct((B, MAX_STATES), jnp.float32),
            jax.ShapeDtypeStruct((B, MIN_STATES), jnp.float32),
            jax.ShapeDtypeStruct((MIN_STATES, N_POCKET, POCKET_DIM),
                                 jnp.float32),
        ],
    )(mol_embedding, base_pocket, sel_W1, sel_b1.reshape(1, -1), sel_W2,
      sel_b2.reshape(1, -1), def_W1, def_b1, def_W2, def_b2)

    s2 = s3.reshape(MIN_STATES, NP)
    mix = pl.pallas_call(
        _mix_kernel,
        grid=(B_CHUNK // B_TILE,),
        in_specs=[
            pl.BlockSpec((B_TILE, MIN_STATES), lambda i: (i, 0)),
            pl.BlockSpec((MIN_STATES, NP), lambda i: (0, 0)),
        ],
        out_specs=pl.BlockSpec((B_TILE, NP), lambda i: (i, 0)),
        out_shape=jax.ShapeDtypeStruct((B_CHUNK, NP), jnp.float32),
    )
    parts = []
    for c in range(N_CHUNKS):
        wp2_c = mix(jax.lax.slice(p16, (c * B_CHUNK, 0),
                                  ((c + 1) * B_CHUNK, MIN_STATES)), s2)
        parts.append(wp2_c.reshape(B_CHUNK, N_POCKET, POCKET_DIM))
    weighted_pocket = jnp.concatenate(parts, axis=0)
    active_indices = jnp.arange(MIN_STATES, dtype=jnp.int32)
    return weighted_pocket, probs, active_indices

# --- scband reference (transcript-rebuilt; emitter-appended) ---
"""Pipeline reference for scband-dynamic-state-bank-22634477650526 (READ-ONLY COPY).

The authoritative reference and input builder live on the scoring server;
editing this copy changes nothing except your own understanding.
"""

import jax, jax.numpy as jnp
import numpy as np

STATE_DIM = 256
POCKET_DIM = 64
MAX_STATES = 64
MIN_STATES = 16
B = 1024
N_POCKET = 512


def setup_inputs(seed: int = 0) -> dict:
    key = jax.random.key(seed)
    ks = jax.random.split(key, 12)
    mol_embedding = jax.random.normal(ks[0], (B, STATE_DIM), dtype=jnp.float32)
    base_pocket = jax.random.normal(ks[1], (N_POCKET, POCKET_DIM), dtype=jnp.float32)
    s = 1.0 / np.sqrt(STATE_DIM)
    p = 1.0 / np.sqrt(POCKET_DIM)
    sel_W1 = jax.random.uniform(ks[2], (STATE_DIM, STATE_DIM), jnp.float32, -s, s)
    sel_b1 = jax.random.uniform(ks[3], (STATE_DIM,), jnp.float32, -s, s)
    sel_W2 = jax.random.uniform(ks[4], (STATE_DIM, MAX_STATES), jnp.float32, -s, s)
    sel_b2 = jax.random.uniform(ks[5], (MAX_STATES,), jnp.float32, -s, s)
    def_W1 = jax.random.uniform(ks[6], (MIN_STATES, POCKET_DIM, STATE_DIM), jnp.float32, -p, p)
    def_b1 = jax.random.uniform(ks[7], (MIN_STATES, STATE_DIM), jnp.float32, -p, p)
    def_W2 = jax.random.uniform(ks[8], (MIN_STATES, STATE_DIM, POCKET_DIM), jnp.float32, -s, s)
    def_b2 = jax.random.uniform(ks[9], (MIN_STATES, POCKET_DIM), jnp.float32, -s, s)
    return {"mol_embedding": mol_embedding, "base_pocket": base_pocket,
            "sel_W1": sel_W1, "sel_b1": sel_b1, "sel_W2": sel_W2, "sel_b2": sel_b2,
            "def_W1": def_W1, "def_b1": def_b1, "def_W2": def_W2, "def_b2": def_b2}


def reference(mol_embedding, base_pocket, sel_W1, sel_b1, sel_W2, sel_b2,
              def_W1, def_b1, def_W2, def_b2):
    # select_states: selector MLP over mol_embedding, mask inactive states, softmax
    h = jax.nn.silu(mol_embedding @ sel_W1 + sel_b1)
    logits = h @ sel_W2 + sel_b2  # (B, MAX_STATES)
    active_mask = jnp.arange(MAX_STATES) < MIN_STATES  # first min_states are active at init
    masked = jnp.where(active_mask[None, :], logits, -jnp.inf)
    probs = jax.nn.softmax(masked, axis=-1)
    active_probs = probs[:, :MIN_STATES]  # (B, K)

    # per-active-state deformation MLP on base_pocket (batched over states)
    h1 = jax.nn.silu(jnp.einsum('np,kpd->knd', base_pocket, def_W1) + def_b1[:, None, :])
    deform = jnp.einsum('knd,kdp->knp', h1, def_W2) + def_b2[:, None, :]
    state_pockets = base_pocket[None, :, :] + 0.1 * deform  # (K, N_pocket, pocket_dim)

    # probability-weighted sum over states
    weighted_pocket = jnp.einsum('bk,knp->bnp', active_probs, state_pockets)

    full_probs = jnp.zeros((mol_embedding.shape[0], MAX_STATES), dtype=probs.dtype)
    full_probs = full_probs.at[:, :MIN_STATES].set(active_probs)
    active_indices = jnp.arange(MIN_STATES, dtype=jnp.int32)
    return weighted_pocket, full_probs, active_indices

if __name__ == "__main__":
    import jax
    _d = setup_inputs()
    print(jax.jit(kernel)(*tuple(_d.values())))

</pallas_src>

<mosaic_0001>
module attributes {stable_mosaic.version = 14 : i64} {
  func.func @_prep_kernel(%arg0: memref<1024x256xf32, #tpu.memory_space<vmem>>, %arg1: memref<512x64xf32, #tpu.memory_space<vmem>>, %arg2: memref<256x256xf32, #tpu.memory_space<vmem>>, %arg3: memref<1x256xf32, #tpu.memory_space<vmem>>, %arg4: memref<256x64xf32, #tpu.memory_space<vmem>>, %arg5: memref<1x64xf32, #tpu.memory_space<vmem>>, %arg6: memref<16x64x256xf32, #tpu.memory_space<vmem>>, %arg7: memref<16x256xf32, #tpu.memory_space<vmem>>, %arg8: memref<16x256x64xf32, #tpu.memory_space<vmem>>, %arg9: memref<16x64xf32, #tpu.memory_space<vmem>>, %arg10: memref<1024x64xf32, #tpu.memory_space<vmem>>, %arg11: memref<1024x16xf32, #tpu.memory_space<vmem>>, %arg12: memref<16x512x64xf32, #tpu.memory_space<vmem>>) attributes {dimension_semantics = [], scalar_prefetch = 0 : i64, scratch_operands = 0 : i64, tpu.core_type = #tpu.core_type<tc>} {
    %get3A = arith.constant 0 : index
    %get3A_0 = arith.constant 0 : index
    %get3A_1 = vector.load %arg0[%get3A, %get3A_0] : memref<1024x256xf32, #tpu.memory_space<vmem>>, vector<1024x256xf32>
    %get3A_2 = arith.constant 0 : index
    %get3A_3 = arith.constant 0 : index
    %get3A_4 = vector.load %arg2[%get3A_2, %get3A_3] : memref<256x256xf32, #tpu.memory_space<vmem>>, vector<256x256xf32>
    %dot_general3A = arith.constant dense<0.000000e+00> : vector<1024x256xf32>
    %dot_general3A_5 = tpu.matmul %get3A_1, %get3A_4, %dot_general3A {dimension_numbers = #tpu.dot_dimension_numbers<[1], [0], [0], [1], [0, 0, 1, 1], [], []>, transpose_lhs_hint = false} : vector<1024x256xf32>, vector<256x256xf32>, vector<1024x256xf32> -> vector<1024x256xf32>
    %get3A_6 = arith.constant 0 : index
    %get3A_7 = arith.constant 0 : index
    %get3A_8 = vector.load %arg3[%get3A_6, %get3A_7] : memref<1x256xf32, #tpu.memory_space<vmem>>, vector<1x256xf32>
    %add3A = vector.broadcast %get3A_8 : vector<1x256xf32> to vector<1024x256xf32>
    %add3A_9 = arith.addf %dot_general3A_5, %add3A : vector<1024x256xf32>
    %logistic3A = arith.negf %add3A_9 : vector<1024x256xf32>
    %logistic3A_10 = math.exp %logistic3A : vector<1024x256xf32>
    %logistic3A_11 = arith.constant 1.000000e+00 : f32
    %logistic3A_12 = vector.broadcast %logistic3A_11 : f32 to vector<1024x256xf32>
    %logistic3A_13 = arith.addf %logistic3A_12, %logistic3A_10 : vector<1024x256xf32>
    %logistic3A_14 = arith.divf %logistic3A_12, %logistic3A_13 : vector<1024x256xf32>
    %mul3A = arith.mulf %add3A_9, %logistic3A_14 : vector<1024x256xf32>
    %get3A_15 = arith.constant 0 : index
    %get3A_16 = arith.constant 0 : index
    %get3A_17 = vector.load %arg4[%get3A_15, %get3A_16] : memref<256x64xf32, #tpu.memory_space<vmem>>, vector<256x64xf32>
    %dot_general3A_18 = arith.constant dense<0.000000e+00> : vector<1024x64xf32>
    %dot_general3A_19 = tpu.matmul %mul3A, %get3A_17, %dot_general3A_18 {dimension_numbers = #tpu.dot_dimension_numbers<[1], [0], [0], [1], [0, 0, 1, 1], [], []>, transpose_lhs_hint = false} : vector<1024x256xf32>, vector<256x64xf32>, vector<1024x64xf32> -> vector<1024x64xf32>
    %get3A_20 = arith.constant 0 : index
    %get3A_21 = arith.constant 0 : index
    %get3A_22 = vector.load %arg5[%get3A_20, %get3A_21] : memref<1x64xf32, #tpu.memory_space<vmem>>, vector<1x64xf32>
    %add3A_23 = vector.broadcast %get3A_22 : vector<1x64xf32> to vector<1024x64xf32>
    %add3A_24 = arith.addf %dot_general3A_19, %add3A_23 : vector<1024x64xf32>
    %iota3A = tpu.iota {dimensions = array<i32: 1>} : vector<1024x64xi32>
    %lt3A = arith.constant 16 : i32
    %lt3A_25 = vector.broadcast %lt3A : i32 to vector<1024x64xi32>
    %lt3A_26 = arith.cmpi slt, %iota3A, %lt3A_25 : vector<1024x64xi32>
    %jit3A = arith.constant 0xFF800000 : f32
    %broadcast_in_dim3A = vector.broadcast %jit3A : f32 to vector<1024x64xf32>
    %select_n3A = arith.select %lt3A_26, %add3A_24, %broadcast_in_dim3A : vector<1024x64xi1>, vector<1024x64xf32>
    %reduce_max3A = arith.constant dense<0xFF800000> : vector<1024xf32>
    %reduce_max3A_27 = vector.multi_reduction <maximumf>, %select_n3A, %reduce_max3A [1] : vector<1024x64xf32> to vector<1024xf32>
    %broadcast_in_dim3A_28 = vector.shape_cast %reduce_max3A_27 : vector<1024xf32> to vector<1024x1xf32>
    %sub3A = vector.broadcast %broadcast_in_dim3A_28 : vector<1024x1xf32> to vector<1024x64xf32>
    %sub3A_29 = arith.subf %select_n3A, %sub3A : vector<1024x64xf32>
    %exp3A = math.exp %sub3A_29 : vector<1024x64xf32>
    %reduce_sum3A = arith.constant dense<0.000000e+00> : vector<1024xf32>
    %reduce_sum3A_30 = vector.multi_reduction <add>, %exp3A, %reduce_sum3A [1] : vector<1024x64xf32> to vector<1024xf32>
    %broadcast_in_dim3A_31 = vector.shape_cast %reduce_sum3A_30 : vector<1024xf32> to vector<1024x1xf32>
    %div3A = vector.broadcast %broadcast_in_dim3A_31 : vector<1024x1xf32> to vector<1024x64xf32>
    %div3A_32 = arith.divf %exp3A, %div3A : vector<1024x64xf32>
    %swap3A = arith.constant 0 : index
    %swap3A_33 = arith.constant 0 : index
    %swap3A_34 = vector.load %arg10[%swap3A, %swap3A_33] : memref<1024x64xf32, #tpu.memory_space<vmem>>, vector<1024x64xf32>
    tpu.vector_store %arg10[%swap3A, %swap3A_33], %div3A_32 {strides = array<i32>} : memref<1024x64xf32, #tpu.memory_space<vmem>>, vector<1024x64xf32>,
    %slice3A = vector.extract_strided_slice %div3A_32 {offsets = [0, 0], sizes = [1024, 16], strides = [1, 1]} : vector<1024x64xf32> to vector<1024x16xf32>
    %swap3A_35 = arith.constant 0 : index
    %swap3A_36 = arith.constant 0 : index
    %swap3A_37 = vector.load %arg11[%swap3A_35, %swap3A_36] : memref<1024x16xf32, #tpu.memory_space<vmem>>, vector<1024x16xf32>
    tpu.vector_store %arg11[%swap3A_35, %swap3A_36], %slice3A {strides = array<i32>} : memref<1024x16xf32, #tpu.memory_space<vmem>>, vector<1024x16xf32>,
    %get3A_38 = arith.constant 0 : index
    %get3A_39 = arith.constant 0 : index
    %get3A_40 = vector.load %arg1[%get3A_38, %get3A_39] : memref<512x64xf32, #tpu.memory_space<vmem>>, vector<512x64xf32>
    %get3A_41 = arith.constant 0 : index
    %get3A_42 = arith.constant 0 : index
    %get3A_43 = arith.constant 0 : index
    %get3A_44 = vector.load %arg6[%get3A_41, %get3A_42, %get3A_43] : memref<16x64x256xf32, #tpu.memory_space<vmem>>, vector<1x64x256xf32>
    %get3A_45 = vector.shape_cast %get3A_44 : vector<1x64x256xf32> to vector<64x256xf32>
    %dot_general3A_46 = arith.constant dense<0.000000e+00> : vector<512x256xf32>
    %dot_general3A_47 = tpu.matmul %get3A_40, %get3A_45, %dot_general3A_46 {dimension_numbers = #tpu.dot_dimension_numbers<[1], [0], [0], [1], [0, 0, 1, 1], [], []>, transpose_lhs_hint = false} : vector<512x64xf32>, vector<64x256xf32>, vector<512x256xf32> -> vector<512x256xf32>
    %get3A_48 = arith.constant 0 : index
    %get3A_49 = arith.constant 0 : index
    %get3A_50 = vector.load %arg7[%get3A_48, %get3A_49] : memref<16x256xf32, #tpu.memory_space<vmem>>, vector<1x256xf32>
    %add3A_51 = vector.broadcast %get3A_50 : vector<1x256xf32> to vector<512x256xf32>
    %add3A_52 = arith.addf %dot_general3A_47, %add3A_51 : vector<512x256xf32>
    %logistic3A_53 = arith.negf %add3A_52 : vector<512x256xf32>
    %logistic3A_54 = math.exp %logistic3A_53 : vector<512x256xf32>
    %logistic3A_55 = arith.constant 1.000000e+00 : f32
    %logistic3A_56 = vector.broadcast %logistic3A_55 : f32 to vector<512x256xf32>
    %logistic3A_57 = arith.addf %logistic3A_56, %logistic3A_54 : vector<512x256xf32>
    %logistic3A_58 = arith.divf %logistic3A_56, %logistic3A_57 : vector<512x256xf32>
    %mul3A_59 = arith.mulf %add3A_52, %logistic3A_58 : vector<512x256xf32>
    %get3A_60 = arith.constant 0 : index
    %get3A_61 = arith.constant 0 : index
    %get3A_62 = arith.constant 0 : index
    %get3A_63 = vector.load %arg8[%get3A_60, %get3A_61, %get3A_62] : memref<16x256x64xf32, #tpu.memory_space<vmem>>, vector<1x256x64xf32>
    %get3A_64 = vector.shape_cast %get3A_63 : vector<1x256x64xf32> to vector<256x64xf32>
    %dot_general3A_65 = arith.constant dense<0.000000e+00> : vector<512x64xf32>
    %dot_general3A_66 = tpu.matmul %mul3A_59, %get3A_64, %dot_general3A_65 {dimension_numbers = #tpu.dot_dimension_numbers<[1], [0], [0], [1], [0, 0, 1, 1], [], []>, transpose_lhs_hint = false} : vector<512x256xf32>, vector<256x64xf32>, vector<512x64xf32> -> vector<512x64xf32>
    %get3A_67 = arith.constant 0 : index
    %get3A_68 = arith.constant 0 : index
    %get3A_69 = vector.load %arg9[%get3A_67, %get3A_68] : memref<16x64xf32, #tpu.memory_space<vmem>>, vector<1x64xf32>
    %add3A_70 = vector.broadcast %get3A_69 : vector<1x64xf32> to vector<512x64xf32>
    %add3A_71 = arith.addf %dot_general3A_66, %add3A_70 : vector<512x64xf32>
    %mul3A_72 = arith.constant 1.000000e-01 : f32
    %mul3A_73 = vector.broadcast %mul3A_72 : f32 to vector<512x64xf32>
    %mul3A_74 = arith.mulf %mul3A_73, %add3A_71 : vector<512x64xf32>
    %add3A_75 = arith.addf %get3A_40, %mul3A_74 : vector<512x64xf32>
    %swap3A_76 = arith.constant 0 : index
    %swap3A_77 = arith.constant 0 : index
    %swap3A_78 = arith.constant 0 : index
    %swap3A_79 = vector.load %arg12[%swap3A_76, %swap3A_77, %swap3A_78] : memref<16x512x64xf32, #tpu.memory_space<vmem>>, vector<1x512x64xf32>
    %swap3A_80 = vector.shape_cast %swap3A_79 : vector<1x512x64xf32> to vector<512x64xf32>
    %swap3A_81 = vector.shape_cast %add3A_75 : vector<512x64xf32> to vector<1x512x64xf32>
    tpu.vector_store %arg12[%swap3A_76, %swap3A_77, %swap3A_78], %swap3A_81 {strides = array<i32>} : memref<16x512x64xf32, #tpu.memory_space<vmem>>, vector<1x512x64xf32>,
    %get3A_82 = arith.constant 1 : index
    %get3A_83 = arith.constant 0 : index
    %get3A_84 = arith.constant 0 : index
    %get3A_85 = vector.load %arg6[%get3A_82, %get3A_83, %get3A_84] : memref<16x64x256xf32, #tpu.memory_space<vmem>>, vector<1x64x256xf32>
    %get3A_86 = vector.shape_cast %get3A_85 : vector<1x64x256xf32> to vector<64x256xf32>
    %dot_general3A_87 = arith.constant dense<0.000000e+00> : vector<512x256xf32>
    %dot_general3A_88 = tpu.matmul %get3A_40, %get3A_86, %dot_general3A_87 {dimension_numbers = #tpu.dot_dimension_numbers<[1], [0], [0], [1], [0, 0, 1, 1], [], []>, transpose_lhs_hint = false} : vector<512x64xf32>, vector<64x256xf32>, vector<512x256xf32> -> vector<512x256xf32>
    %get3A_89 = arith.constant 1 : index
    %get3A_90 = arith.constant 0 : index
    %get3A_91 = vector.load %arg7[%get3A_89, %get3A_90] : memref<16x256xf32, #tpu.memory_space<vmem>>, vector<1x256xf32>
    %add3A_92 = vector.broadcast %get3A_91 : vector<1x256xf32> to vector<512x256xf32>
    %add3A_93 = arith.addf %dot_general3A_88, %add3A_92 : vector<512x256xf32>
    %logistic3A_94 = arith.negf %add3A_93 : vector<512x256xf32>
    %logistic3A_95 = math.exp %logistic3A_94 : vector<512x256xf32>
    %logistic3A_96 = arith.constant 1.000000e+00 : f32
    %logistic3A_97 = vector.broadcast %logistic3A_96 : f32 to vector<512x256xf32>
    %logistic3A_98 = arith.addf %logistic3A_97, %logistic3A_95 : vector<512x256xf32>
    %logistic3A_99 = arith.divf %logistic3A_97, %logistic3A_98 : vector<512x256xf32>
    %mul3A_100 = arith.mulf %add3A_93, %logistic3A_99 : vector<512x256xf32>
    %get3A_101 = arith.constant 1 : index
    %get3A_102 = arith.constant 0 : index
    %get3A_103 = arith.constant 0 : index
    %get3A_104 = vector.load %arg8[%get3A_101, %get3A_102, %get3A_103] : memref<16x256x64xf32, #tpu.memory_space<vmem>>, vector<1x256x64xf32>
    %get3A_105 = vector.shape_cast %get3A_104 : vector<1x256x64xf32> to vector<256x64xf32>
    %dot_general3A_106 = arith.constant dense<0.000000e+00> : vector<512x64xf32>
    %dot_general3A_107 = tpu.matmul %mul3A_100, %get3A_105, %dot_general3A_106 {dimension_numbers = #tpu.dot_dimension_numbers<[1], [0], [0], [1], [0, 0, 1, 1], [], []>, transpose_lhs_hint = false} : vector<512x256xf32>, vector<256x64xf32>, vector<512x64xf32> -> vector<512x64xf32>
    %get3A_108 = arith.constant 1 : index
    %get3A_109 = arith.constant 0 : index
    %get3A_110 = vector.load %arg9[%get3A_108, %get3A_109] : memref<16x64xf32, #tpu.memory_space<vmem>>, vector<1x64xf32>
    %add3A_111 = vector.broadcast %get3A_110 : vector<1x64xf32> to vector<512x64xf32>
    %add3A_112 = arith.addf %dot_general3A_107, %add3A_111 : vector<512x64xf32>
    %mul3A_113 = arith.constant 1.000000e-01 : f32
    %mul3A_114 = vector.broadcast %mul3A_113 : f32 to vector<512x64xf32>
    %mul3A_115 = arith.mulf %mul3A_114, %add3A_112 : vector<512x64xf32>
    %add3A_116 = arith.addf %get3A_40, %mul3A_115 : vector<512x64xf32>
    %swap3A_117 = arith.constant 1 : index
    %swap3A_118 = arith.constant 0 : index
    %swap3A_119 = arith.constant 0 : index
    %swap3A_120 = vector.load %arg12[%swap3A_117, %swap3A_118, %swap3A_119] : memref<16x512x64xf32, #tpu.memory_space<vmem>>, vector<1x512x64xf32>
    %swap3A_121 = vector.shape_cast %swap3A_120 : vector<1x512x64xf32> to vector<512x64xf32>
    %swap3A_122 = vector.shape_cast %add3A_116 : vector<512x64xf32> to vector<1x512x64xf32>
    tpu.vector_store %arg12[%swap3A_117, %swap3A_118, %swap3A_119], %swap3A_122 {strides = array<i32>} : memref<16x512x64xf32, #tpu.memory_space<vmem>>, vector<1x512x64xf32>,
    %get3A_123 = arith.constant 2 : index
    %get3A_124 = arith.constant 0 : index
    %get3A_125 = arith.constant 0 : index
    %get3A_126 = vector.load %arg6[%get3A_123, %get3A_124, %get3A_125] : memref<16x64x256xf32, #tpu.memory_space<vmem>>, vector<1x64x256xf32>
    %get3A_127 = vector.shape_cast %get3A_126 : vector<1x64x256xf32> to vector<64x256xf32>
    %dot_general3A_128 = arith.constant dense<0.000000e+00> : vector<512x256xf32>
    %dot_general3A_129 = tpu.matmul %get3A_40, %get3A_127, %dot_general3A_128 {dimension_numbers = #tpu.dot_dimension_numbers<[1], [0], [0], [1], [0, 0, 1, 1], [], []>, transpose_lhs_hint = false} : vector<512x64xf32>, vector<64x256xf32>, vector<512x256xf32> -> vector<512x256xf32>
    %get3A_130 = arith.constant 2 : index
    %get3A_131 = arith.constant 0 : index
    %get3A_132 = vector.load %arg7[%get3A_130, %get3A_131] : memref<16x256xf32, #tpu.memory_space<vmem>>, vector<1x256xf32>
    %add3A_133 = vector.broadcast %get3A_132 : vector<1x256xf32> to vector<512x256xf32>
    %add3A_134 = arith.addf %dot_general3A_129, %add3A_133 : vector<512x256xf32>
    %logistic3A_135 = arith.negf %add3A_134 : vector<512x256xf32>
    %logistic3A_136 = math.exp %logistic3A_135 : vector<512x256xf32>
    %logistic3A_137 = arith.constant 1.000000e+00 : f32
    %logistic3A_138 = vector.broadcast %logistic3A_137 : f32 to vector<512x256xf32>
    %logistic3A_139 = arith.addf %logistic3A_138, %logistic3A_136 : vector<512x256xf32>
    %logistic3A_140 = arith.divf %logistic3A_138, %logistic3A_139 : vector<512x256xf32>
    %mul3A_141 = arith.mulf %add3A_134, %logistic3A_140 : vector<512x256xf32>
    %get3A_142 = arith.constant 2 : index
    %get3A_143 = arith.constant 0 : index
    %get3A_144 = arith.constant 0 : index
    %get3A_145 = vector.load %arg8[%get3A_142, %get3A_143, %get3A_144] : memref<16x256x64xf32, #tpu.memory_space<vmem>>, vector<1x256x64xf32>
    %get3A_146 = vector.shape_cast %get3A_145 : vector<1x256x64xf32> to vector<256x64xf32>
    %dot_general3A_147 = arith.constant dense<0.000000e+00> : vector<512x64xf32>
    %dot_general3A_148 = tpu.matmul %mul3A_141, %get3A_146, %dot_general3A_147 {dimension_numbers = #tpu.dot_dimension_numbers<[1], [0], [0], [1], [0, 0, 1, 1], [], []>, transpose_lhs_hint = false} : vector<512x256xf32>, vector<256x64xf32>, vector<512x64xf32> -> vector<512x64xf32>
    %get3A_149 = arith.constant 2 : index
    %get3A_150 = arith.constant 0 : index
    %get3A_151 = vector.load %arg9[%get3A_149, %get3A_150] : memref<16x64xf32, #tpu.memory_space<vmem>>, vector<1x64xf32>
    %add3A_152 = vector.broadcast %get3A_151 : vector<1x64xf32> to vector<512x64xf32>
    %add3A_153 = arith.addf %dot_general3A_148, %add3A_152 : vector<512x64xf32>
    %mul3A_154 = arith.constant 1.000000e-01 : f32
    %mul3A_155 = vector.broadcast %mul3A_154 : f32 to vector<512x64xf32>
    %mul3A_156 = arith.mulf %mul3A_155, %add3A_153 : vector<512x64xf32>
    %add3A_157 = arith.addf %get3A_40, %mul3A_156 : vector<512x64xf32>
    %swap3A_158 = arith.constant 2 : index
    %swap3A_159 = arith.constant 0 : index
    %swap3A_160 = arith.constant 0 : index
    %swap3A_161 = vector.load %arg12[%swap3A_158, %swap3A_159, %swap3A_160] : memref<16x512x64xf32, #tpu.memory_space<vmem>>, vector<1x512x64xf32>
    %swap3A_162 = vector.shape_cast %swap3A_161 : vector<1x512x64xf32> to vector<512x64xf32>
    %swap3A_163 = vector.shape_cast %add3A_157 : vector<512x64xf32> to vector<1x512x64xf32>
    tpu.vector_store %arg12[%swap3A_158, %swap3A_159, %swap3A_160], %swap3A_163 {strides = array<i32>} : memref<16x512x64xf32, #tpu.memory_space<vmem>>, vector<1x512x64xf32>,
    %get3A_164 = arith.constant 3 : index
    %get3A_165 = arith.constant 0 : index
    %get3A_166 = arith.constant 0 : index
    %get3A_167 = vector.load %arg6[%get3A_164, %get3A_165, %get3A_166] : memref<16x64x256xf32, #tpu.memory_space<vmem>>, vector<1x64x256xf32>
    %get3A_168 = vector.shape_cast %get3A_167 : vector<1x64x256xf32> to vector<64x256xf32>
    %dot_general3A_169 = arith.constant dense<0.000000e+00> : vector<512x256xf32>
    %dot_general3A_170 = tpu.matmul %get3A_40, %get3A_168, %dot_general3A_169 {dimension_numbers = #tpu.dot_dimension_numbers<[1], [0], [0], [1], [0, 0, 1, 1], [], []>, transpose_lhs_hint = false} : vector<512x64xf32>, vector<64x256xf32>, vector<512x256xf32> -> vector<512x256xf32>
    %get3A_171 = arith.constant 3 : index
    %get3A_172 = arith.constant 0 : index
    %get3A_173 = vector.load %arg7[%get3A_171, %get3A_172] : memref<16x256xf32, #tpu.memory_space<vmem>>, vector<1x256xf32>
    %add3A_174 = vector.broadcast %get3A_173 : vector<1x256xf32> to vector<512x256xf32>
    %add3A_175 = arith.addf %dot_general3A_170, %add3A_174 : vector<512x256xf32>
    %logistic3A_176 = arith.negf %add3A_175 : vector<512x256xf32>
    %logistic3A_177 = math.exp %logistic3A_176 : vector<512x256xf32>
    %logistic3A_178 = arith.constant 1.000000e+00 : f32
    %logistic3A_179 = vector.broadcast %logistic3A_178 : f32 to vector<512x256xf32>
    %logistic3A_180 = arith.addf %logistic3A_179, %logistic3A_177 : vector<512x256xf32>
    %logistic3A_181 = arith.divf %logistic3A_179, %logistic3A_180 : vector<512x256xf32>
    %mul3A_182 = arith.mulf %add3A_175, %logistic3A_181 : vector<512x256xf32>
    %get3A_183 = arith.constant 3 : index
    %get3A_184 = arith.constant 0 : index
    %get3A_185 = arith.constant 0 : index
    %get3A_186 = vector.load %arg8[%get3A_183, %get3A_184, %get3A_185] : memref<16x256x64xf32, #tpu.memory_space<vmem>>, vector<1x256x64xf32>
    %get3A_187 = vector.shape_cast %get3A_186 : vector<1x256x64xf32> to vector<256x64xf32>
    %dot_general3A_188 = arith.constant dense<0.000000e+00> : vector<512x64xf32>
    %dot_general3A_189 = tpu.matmul %mul3A_182, %get3A_187, %dot_general3A_188 {dimension_numbers = #tpu.dot_dimension_numbers<[1], [0], [0], [1], [0, 0, 1, 1], [], []>, transpose_lhs_hint = false} : vector<512x256xf32>, vector<256x64xf32>, vector<512x64xf32> -> vector<512x64xf32>
    %get3A_190 = arith.constant 3 : index
    %get3A_191 = arith.constant 0 : index
    %get3A_192 = vector.load %arg9[%get3A_190, %get3A_191] : memref<16x64xf32, #tpu.memory_space<vmem>>, vector<1x64xf32>
    %add3A_193 = vector.broadcast %get3A_192 : vector<1x64xf32> to vector<512x64xf32>
    %add3A_194 = arith.addf %dot_general3A_189, %add3A_193 : vector<512x64xf32>
    %mul3A_195 = arith.constant 1.000000e-01 : f32
    %mul3A_196 = vector.broadcast %mul3A_195 : f32 to vector<512x64xf32>
    %mul3A_197 = arith.mulf %mul3A_196, %add3A_194 : vector<512x64xf32>
    %add3A_198 = arith.addf %get3A_40, %mul3A_197 : vector<512x64xf32>
    %swap3A_199 = arith.constant 3 : index
    %swap3A_200 = arith.constant 0 : index
    %swap3A_201 = arith.constant 0 : index
    %swap3A_202 = vector.load %arg12[%swap3A_199, %swap3A_200, %swap3A_201] : memref<16x512x64xf32, #tpu.memory_space<vmem>>, vector<1x512x64xf32>
    %swap3A_203 = vector.shape_cast %swap3A_202 : vector<1x512x64xf32> to vector<512x64xf32>
    %swap3A_204 = vector.shape_cast %add3A_198 : vector<512x64xf32> to vector<1x512x64xf32>
    tpu.vector_store %arg12[%swap3A_199, %swap3A_200, %swap3A_201], %swap3A_204 {strides = array<i32>} : memref<16x512x64xf32, #tpu.memory_space<vmem>>, vector<1x512x64xf32>,
    %get3A_205 = arith.constant 4 : index
    %get3A_206 = arith.constant 0 : index
    %get3A_207 = arith.constant 0 : index
    %get3A_208 = vector.load %arg6[%get3A_205, %get3A_206, %get3A_207] : memref<16x64x256xf32, #tpu.memory_space<vmem>>, vector<1x64x256xf32>
    %get3A_209 = vector.shape_cast %get3A_208 : vector<1x64x256xf32> to vector<64x256xf32>
    %dot_general3A_210 = arith.constant dense<0.000000e+00> : vector<512x256xf32>
    %dot_general3A_211 = tpu.matmul %get3A_40, %get3A_209, %dot_general3A_210 {dimension_numbers = #tpu.dot_dimension_numbers<[1], [0], [0], [1], [0, 0, 1, 1], [], []>, transpose_lhs_hint = false} : vector<512x64xf32>, vector<64x256xf32>, vector<512x256xf32> -> vector<512x256xf32>
    %get3A_212 = arith.constant 4 : index
    %get3A_213 = arith.constant 0 : index
    %get3A_214 = vector.load %arg7[%get3A_212, %get3A_213] : memref<16x256xf32, #tpu.memory_space<vmem>>, vector<1x256xf32>
    %add3A_215 = vector.broadcast %get3A_214 : vector<1x256xf32> to vector<512x256xf32>
    %add3A_216 = arith.addf %dot_general3A_211, %add3A_215 : vector<512x256xf32>
    %logistic3A_217 = arith.negf %add3A_216 : vector<512x256xf32>
    %logistic3A_218 = math.exp %logistic3A_217 : vector<512x256xf32>
    %logistic3A_219 = arith.constant 1.000000e+00 : f32
    %logistic3A_220 = vector.broadcast %logistic3A_219 : f32 to vector<512x256xf32>
    %logistic3A_221 = arith.addf %logistic3A_220, %logistic3A_218 : vector<512x256xf32>
    %logistic3A_222 = arith.divf %logistic3A_220, %logistic3A_221 : vector<512x256xf32>
    %mul3A_223 = arith.mulf %add3A_216, %logistic3A_222 : vector<512x256xf32>
    %get3A_224 = arith.constant 4 : index
    %get3A_225 = arith.constant 0 : index
    %get3A_226 = arith.constant 0 : index
    %get3A_227 = vector.load %arg8[%get3A_224, %get3A_225, %get3A_226] : memref<16x256x64xf32, #tpu.memory_space<vmem>>, vector<1x256x64xf32>
    %get3A_228 = vector.shape_cast %get3A_227 : vector<1x256x64xf32> to vector<256x64xf32>
    %dot_general3A_229 = arith.constant dense<0.000000e+00> : vector<512x64xf32>
    %dot_general3A_230 = tpu.matmul %mul3A_223, %get3A_228, %dot_general3A_229 {dimension_numbers = #tpu.dot_dimension_numbers<[1], [0], [0], [1], [0, 0, 1, 1], [], []>, transpose_lhs_hint = false} : vector<512x256xf32>, vector<256x64xf32>, vector<512x64xf32> -> vector<512x64xf32>
    %get3A_231 = arith.constant 4 : index
    %get3A_232 = arith.constant 0 : index
    %get3A_233 = vector.load %arg9[%get3A_231, %get3A_232] : memref<16x64xf32, #tpu.memory_space<vmem>>, vector<1x64xf32>
    %add3A_234 = vector.broadcast %get3A_233 : vector<1x64xf32> to vector<512x64xf32>
    %add3A_235 = arith.addf %dot_general3A_230, %add3A_234 : vector<512x64xf32>
    %mul3A_236 = arith.constant 1.000000e-01 : f32
    %mul3A_237 = vector.broadcast %mul3A_236 : f32 to vector<512x64xf32>
    %mul3A_238 = arith.mulf %mul3A_237, %add3A_235 : vector<512x64xf32>
    %add3A_239 = arith.addf %get3A_40, %mul3A_238 : vector<512x64xf32>
    %swap3A_240 = arith.constant 4 : index
    %swap3A_241 = arith.constant 0 : index
    %swap3A_242 = arith.constant 0 : index
    %swap3A_243 = vector.load %arg12[%swap3A_240, %swap3A_241, %swap3A_242] : memref<16x512x64xf32, #tpu.memory_space<vmem>>, vector<1x512x64xf32>
    %swap3A_244 = vector.shape_cast %swap3A_243 : vector<1x512x64xf32> to vector<512x64xf32>
    %swap3A_245 = vector.shape_cast %add3A_239 : vector<512x64xf32> to vector<1x512x64xf32>
    tpu.vector_store %arg12[%swap3A_240, %swap3A_241, %swap3A_242], %swap3A_245 {strides = array<i32>} : memref<16x512x64xf32, #tpu.memory_space<vmem>>, vector<1x512x64xf32>,
    %get3A_246 = arith.constant 5 : index
    %get3A_247 = arith.constant 0 : index
    %get3A_248 = arith.constant 0 : index
    %get3A_249 = vector.load %arg6[%get3A_246, %get3A_247, %get3A_248] : memref<16x64x256xf32, #tpu.memory_space<vmem>>, vector<1x64x256xf32>
    %get3A_250 = vector.shape_cast %get3A_249 : vector<1x64x256xf32> to vector<64x256xf32>
    %dot_general3A_251 = arith.constant dense<0.000000e+00> : vector<512x256xf32>
    %dot_general3A_252 = tpu.matmul %get3A_40, %get3A_250, %dot_general3A_251 {dimension_numbers = #tpu.dot_dimension_numbers<[1], [0], [0], [1], [0, 0, 1, 1], [], []>, transpose_lhs_hint = false} : vector<512x64xf32>, vector<64x256xf32>, vector<512x256xf32> -> vector<512x256xf32>
    %get3A_253 = arith.constant 5 : index
    %get3A_254 = arith.constant 0 : index
    %get3A_255 = vector.load %arg7[%get3A_253, %get3A_254] : memref<16x256xf32, #tpu.memory_space<vmem>>, vector<1x256xf32>
    %add3A_256 = vector.broadcast %get3A_255 : vector<1x256xf32> to vector<512x256xf32>
    %add3A_257 = arith.addf %dot_general3A_252, %add3A_256 : vector<512x256xf32>
    %logistic3A_258 = arith.negf %add3A_257 : vector<512x256xf32>
    %logistic3A_259 = math.exp %logistic3A_258 : vector<512x256xf32>
    %logistic3A_260 = arith.constant 1.000000e+00 : f32
    %logistic3A_261 = vector.broadcast %logistic3A_260 : f32 to vector<512x256xf32>
    %logistic3A_262 = arith.addf %logistic3A_261, %logistic3A_259 : vector<512x256xf32>
    %logistic3A_263 = arith.divf %logistic3A_261, %logistic3A_262 : vector<512x256xf32>
    %mul3A_264 = arith.mulf %add3A_257, %logistic3A_263 : vector<512x256xf32>
    %get3A_265 = arith.constant 5 : index
    %get3A_266 = arith.constant 0 : index
    %get3A_267 = arith.constant 0 : index
    %get3A_268 = vector.load %arg8[%get3A_265, %get3A_266, %get3A_267] : memref<16x256x64xf32, #tpu.memory_space<vmem>>, vector<1x256x64xf32>
    %get3A_269 = vector.shape_cast %get3A_268 : vector<1x256x64xf32> to vector<256x64xf32>
    %dot_general3A_270 = arith.constant dense<0.000000e+00> : vector<512x64xf32>
    %dot_general3A_271 = tpu.matmul %mul3A_264, %get3A_269, %dot_general3A_270 {dimension_numbers = #tpu.dot_dimension_numbers<[1], [0], [0], [1], [0, 0, 1, 1], [], []>, transpose_lhs_hint = false} : vector<512x256xf32>, vector<256x64xf32>, vector<512x64xf32> -> vector<512x64xf32>
    %get3A_272 = arith.constant 5 : index
    %get3A_273 = arith.constant 0 : index
    %get3A_274 = vector.load %arg9[%get3A_272, %get3A_273] : memref<16x64xf32, #tpu.memory_space<vmem>>, vector<1x64xf32>
    %add3A_275 = vector.broadcast %get3A_274 : vector<1x64xf32> to vector<512x64xf32>
    %add3A_276 = arith.addf %dot_general3A_271, %add3A_275 : vector<512x64xf32>
    %mul3A_277 = arith.constant 1.000000e-01 : f32
    %mul3A_278 = vector.broadcast %mul3A_277 : f32 to vector<512x64xf32>
    %mul3A_279 = arith.mulf %mul3A_278, %add3A_276 : vector<512x64xf32>
    %add3A_280 = arith.addf %get3A_40, %mul3A_279 : vector<512x64xf32>
    %swap3A_281 = arith.constant 5 : index
    %swap3A_282 = arith.constant 0 : index
    %swap3A_283 = arith.constant 0 : index
    %swap3A_284 = vector.load %arg12[%swap3A_281, %swap3A_282, %swap3A_283] : memref<16x512x64xf32, #tpu.memory_space<vmem>>, vector<1x512x64xf32>
    %swap3A_285 = vector.shape_cast %swap3A_284 : vector<1x512x64xf32> to vector<512x64xf32>
    %swap3A_286 = vector.shape_cast %add3A_280 : vector<512x64xf32> to vector<1x512x64xf32>
    tpu.vector_store %arg12[%swap3A_281, %swap3A_282, %swap3A_283], %swap3A_286 {strides = array<i32>} : memref<16x512x64xf32, #tpu.memory_space<vmem>>, vector<1x512x64xf32>,
    %get3A_287 = arith.constant 6 : index
    %get3A_288 = arith.constant 0 : index
    %get3A_289 = arith.constant 0 : index
    %get3A_290 = vector.load %arg6[%get3A_287, %get3A_288, %get3A_289] : memref<16x64x256xf32, #tpu.memory_space<vmem>>, vector<1x64x256xf32>
    %get3A_291 = vector.shape_cast %get3A_290 : vector<1x64x256xf32> to vector<64x256xf32>
    %dot_general3A_292 = arith.constant dense<0.000000e+00> : vector<512x256xf32>
    %dot_general3A_293 = tpu.matmul %get3A_40, %get3A_291, %dot_general3A_292 {dimension_numbers = #tpu.dot_dimension_numbers<[1], [0], [0], [1], [0, 0, 1, 1], [], []>, transpose_lhs_hint = false} : vector<512x64xf32>, vector<64x256xf32>, vector<512x256xf32> -> vector<512x256xf32>
    %get3A_294 = arith.constant 6 : index
    %get3A_295 = arith.constant 0 : index
    %get3A_296 = vector.load %arg7[%get3A_294, %get3A_295] : memref<16x256xf32, #tpu.memory_space<vmem>>, vector<1x256xf32>
    %add3A_297 = vector.broadcast %get3A_296 : vector<1x256xf32> to vector<512x256xf32>
    %add3A_298 = arith.addf %dot_general3A_293, %add3A_297 : vector<512x256xf32>
    %logistic3A_299 = arith.negf %add3A_298 : vector<512x256xf32>
    %logistic3A_300 = math.exp %logistic3A_299 : vector<512x256xf32>
    %logistic3A_301 = arith.constant 1.000000e+00 : f32
    %logistic3A_302 = vector.broadcast %logistic3A_301 : f32 to vector<512x256xf32>
    %logistic3A_303 = arith.addf %logistic3A_302, %logistic3A_300 : vector<512x256xf32>
    %logistic3A_304 = arith.divf %logistic3A_302, %logistic3A_303 : vector<512x256xf32>
    %mul3A_305 = arith.mulf %add3A_298, %logistic3A_304 : vector<512x256xf32>
    %get3A_306 = arith.constant 6 : index
    %get3A_307 = arith.constant 0 : index
    %get3A_308 = arith.constant 0 : index
    %get3A_309 = vector.load %arg8[%get3A_306, %get3A_307, %get3A_308] : memref<16x256x64xf32, #tpu.memory_space<vmem>>, vector<1x256x64xf32>
    %get3A_310 = vector.shape_cast %get3A_309 : vector<1x256x64xf32> to vector<256x64xf32>
    %dot_general3A_311 = arith.constant dense<0.000000e+00> : vector<512x64xf32>
    %dot_general3A_312 = tpu.matmul %mul3A_305, %get3A_310, %dot_general3A_311 {dimension_numbers = #tpu.dot_dimension_numbers<[1], [0], [0], [1], [0, 0, 1, 1], [], []>, transpose_lhs_hint = false} : vector<512x256xf32>, vector<256x64xf32>, vector<512x64xf32> -> vector<512x64xf32>
    %get3A_313 = arith.constant 6 : index
    %get3A_314 = arith.constant 0 : index
    %get3A_315 = vector.load %arg9[%get3A_313, %get3A_314] : memref<16x64xf32, #tpu.memory_space<vmem>>, vector<1x64xf32>
    %add3A_316 = vector.broadcast %get3A_315 : vector<1x64xf32> to vector<512x64xf32>
    %add3A_317 = arith.addf %dot_general3A_312, %add3A_316 : vector<512x64xf32>
    %mul3A_318 = arith.constant 1.000000e-01 : f32
    %mul3A_319 = vector.broadcast %mul3A_318 : f32 to vector<512x64xf32>
    %mul3A_320 = arith.mulf %mul3A_319, %add3A_317 : vector<512x64xf32>
    %add3A_321 = arith.addf %get3A_40, %mul3A_320 : vector<512x64xf32>
    %swap3A_322 = arith.constant 6 : index
    %swap3A_323 = arith.constant 0 : index
    %swap3A_324 = arith.constant 0 : index
    %swap3A_325 = vector.load %arg12[%swap3A_322, %swap3A_323, %swap3A_324] : memref<16x512x64xf32, #tpu.memory_space<vmem>>, vector<1x512x64xf32>
    %swap3A_326 = vector.shape_cast %swap3A_325 : vector<1x512x64xf32> to vector<512x64xf32>
    %swap3A_327 = vector.shape_cast %add3A_321 : vector<512x64xf32> to vector<1x512x64xf32>
    tpu.vector_store %arg12[%swap3A_322, %swap3A_323, %swap3A_324], %swap3A_327 {strides = array<i32>} : memref<16x512x64xf32, #tpu.memory_space<vmem>>, vector<1x512x64xf32>,
    %get3A_328 = arith.constant 7 : index
    %get3A_329 = arith.constant 0 : index
    %get3A_330 = arith.constant 0 : index
    %get3A_331 = vector.load %arg6[%get3A_328, %get3A_329, %get3A_330] : memref<16x64x256xf32, #tpu.memory_space<vmem>>, vector<1x64x256xf32>
    %get3A_332 = vector.shape_cast %get3A_331 : vector<1x64x256xf32> to vector<64x256xf32>
    %dot_general3A_333 = arith.constant dense<0.000000e+00> : vector<512x256xf32>
    %dot_general3A_334 = tpu.matmul %get3A_40, %get3A_332, %dot_general3A_333 {dimension_numbers = #tpu.dot_dimension_numbers<[1], [0], [0], [1], [0, 0, 1, 1], [], []>, transpose_lhs_hint = false} : vector<512x64xf32>, vector<64x256xf32>, vector<512x256xf32> -> vector<512x256xf32>
    %get3A_335 = arith.constant 7 : index
    %get3A_336 = arith.constant 0 : index
    %get3A_337 = vector.load %arg7[%get3A_335, %get3A_336] : memref<16x256xf32, #tpu.memory_space<vmem>>, vector<1x256xf32>
    %add3A_338 = vector.broadcast %get3A_337 : vector<1x256xf32> to vector<512x256xf32>
    %add3A_339 = arith.addf %dot_general3A_334, %add3A_338 : vector<512x256xf32>
    %logistic3A_340 = arith.negf %add3A_339 : vector<512x256xf32>
    %logistic3A_341 = math.exp %logistic3A_340 : vector<512x256xf32>
    %logistic3A_342 = arith.constant 1.000000e+00 : f32
    %logistic3A_343 = vector.broadcast %logistic3A_342 : f32 to vector<512x256xf32>
    %logistic3A_344 = arith.addf %logistic3A_343, %logistic3A_341 : vector<512x256xf32>
    %logistic3A_345 = arith.divf %logistic3A_343, %logistic3A_344 : vector<512x256xf32>
    %mul3A_346 = arith.mulf %add3A_339, %logistic3A_345 : vector<512x256xf32>
    %get3A_347 = arith.constant 7 : index
    %get3A_348 = arith.constant 0 : index
    %get3A_349 = arith.constant 0 : index
    %get3A_350 = vector.load %arg8[%get3A_347, %get3A_348, %get3A_349] : memref<16x256x64xf32, #tpu.memory_space<vmem>>, vector<1x256x64xf32>
    %get3A_351 = vector.shape_cast %get3A_350 : vector<1x256x64xf32> to vector<256x64xf32>
    %dot_general3A_352 = arith.constant dense<0.000000e+00> : vector<512x64xf32>
    %dot_general3A_353 = tpu.matmul %mul3A_346, %get3A_351, %dot_general3A_352 {dimension_numbers = #tpu.dot_dimension_numbers<[1], [0], [0], [1], [0, 0, 1, 1], [], []>, transpose_lhs_hint = false} : vector<512x256xf32>, vector<256x64xf32>, vector<512x64xf32> -> vector<512x64xf32>
    %get3A_354 = arith.constant 7 : index
    %get3A_355 = arith.constant 0 : index
    %get3A_356 = vector.load %arg9[%get3A_354, %get3A_355] : memref<16x64xf32, #tpu.memory_space<vmem>>, vector<1x64xf32>
    %add3A_357 = vector.broadcast %get3A_356 : vector<1x64xf32> to vector<512x64xf32>
    %add3A_358 = arith.addf %dot_general3A_353, %add3A_357 : vector<512x64xf32>
    %mul3A_359 = arith.constant 1.000000e-01 : f32
    %mul3A_360 = vector.broadcast %mul3A_359 : f32 to vector<512x64xf32>
    %mul3A_361 = arith.mulf %mul3A_360, %add3A_358 : vector<512x64xf32>
    %add3A_362 = arith.addf %get3A_40, %mul3A_361 : vector<512x64xf32>
    %swap3A_363 = arith.constant 7 : index
    %swap3A_364 = arith.constant 0 : index
    %swap3A_365 = arith.constant 0 : index
    %swap3A_366 = vector.load %arg12[%swap3A_363, %swap3A_364, %swap3A_365] : memref<16x512x64xf32, #tpu.memory_space<vmem>>, vector<1x512x64xf32>
    %swap3A_367 = vector.shape_cast %swap3A_366 : vector<1x512x64xf32> to vector<512x64xf32>
    %swap3A_368 = vector.shape_cast %add3A_362 : vector<512x64xf32> to vector<1x512x64xf32>
    tpu.vector_store %arg12[%swap3A_363, %swap3A_364, %swap3A_365], %swap3A_368 {strides = array<i32>} : memref<16x512x64xf32, #tpu.memory_space<vmem>>, vector<1x512x64xf32>,
    %get3A_369 = arith.constant 8 : index
    %get3A_370 = arith.constant 0 : index
    %get3A_371 = arith.constant 0 : index
    %get3A_372 = vector.load %arg6[%get3A_369, %get3A_370, %get3A_371] : memref<16x64x256xf32, #tpu.memory_space<vmem>>, vector<1x64x256xf32>
    %get3A_373 = vector.shape_cast %get3A_372 : vector<1x64x256xf32> to vector<64x256xf32>
    %dot_general3A_374 = arith.constant dense<0.000000e+00> : vector<512x256xf32>
    %dot_general3A_375 = tpu.matmul %get3A_40, %get3A_373, %dot_general3A_374 {dimension_numbers = #tpu.dot_dimension_numbers<[1], [0], [0], [1], [0, 0, 1, 1], [], []>, transpose_lhs_hint = false} : vector<512x64xf32>, vector<64x256xf32>, vector<512x256xf32> -> vector<512x256xf32>
    %get3A_376 = arith.constant 8 : index
    %get3A_377 = arith.constant 0 : index
    %get3A_378 = vector.load %arg7[%get3A_376, %get3A_377] : memref<16x256xf32, #tpu.memory_space<vmem>>, vector<1x256xf32>
    %add3A_379 = vector.broadcast %get3A_378 : vector<1x256xf32> to vector<512x256xf32>
    %add3A_380 = arith.addf %dot_general3A_375, %add3A_379 : vector<512x256xf32>
    %logistic3A_381 = arith.negf %add3A_380 : vector<512x256xf32>
    %logistic3A_382 = math.exp %logistic3A_381 : vector<512x256xf32>
    %logistic3A_383 = arith.constant 1.000000e+00 : f32
    %logistic3A_384 = vector.broadcast %logistic3A_383 : f32 to vector<512x256xf32>
    %logistic3A_385 = arith.addf %logistic3A_384, %logistic3A_382 : vector<512x256xf32>
    %logistic3A_386 = arith.divf %logistic3A_384, %logistic3A_385 : vector<512x256xf32>
    %mul3A_387 = arith.mulf %add3A_380, %logistic3A_386 : vector<512x256xf32>
    %get3A_388 = arith.constant 8 : index
    %get3A_389 = arith.constant 0 : index
    %get3A_390 = arith.constant 0 : index
    %get3A_391 = vector.load %arg8[%get3A_388, %get3A_389, %get3A_390] : memref<16x256x64xf32, #tpu.memory_space<vmem>>, vector<1x256x64xf32>
    %get3A_392 = vector.shape_cast %get3A_391 : vector<1x256x64xf32> to vector<256x64xf32>
    %dot_general3A_393 = arith.constant dense<0.000000e+00> : vector<512x64xf32>
    %dot_general3A_394 = tpu.matmul %mul3A_387, %get3A_392, %dot_general3A_393 {dimension_numbers = #tpu.dot_dimension_numbers<[1], [0], [0], [1], [0, 0, 1, 1], [], []>, transpose_lhs_hint = false} : vector<512x256xf32>, vector<256x64xf32>, vector<512x64xf32> -> vector<512x64xf32>
    %get3A_395 = arith.constant 8 : index
    %get3A_396 = arith.constant 0 : index
    %get3A_397 = vector.load %arg9[%get3A_395, %get3A_396] : memref<16x64xf32, #tpu.memory_space<vmem>>, vector<1x64xf32>
    %add3A_398 = vector.broadcast %get3A_397 : vector<1x64xf32> to vector<512x64xf32>
    %add3A_399 = arith.addf %dot_general3A_394, %add3A_398 : vector<512x64xf32>
    %mul3A_400 = arith.constant 1.000000e-01 : f32
    %mul3A_401 = vector.broadcast %mul3A_400 : f32 to vector<512x64xf32>
    %mul3A_402 = arith.mulf %mul3A_401, %add3A_399 : vector<512x64xf32>
    %add3A_403 = arith.addf %get3A_40, %mul3A_402 : vector<512x64xf32>
    %swap3A_404 = arith.constant 8 : index
    %swap3A_405 = arith.constant 0 : index
    %swap3A_406 = arith.constant 0 : index
    %swap3A_407 = vector.load %arg12[%swap3A_404, %swap3A_405, %swap3A_406] : memref<16x512x64xf32, #tpu.memory_space<vmem>>, vector<1x512x64xf32>
    %swap3A_408 = vector.shape_cast %swap3A_407 : vector<1x512x64xf32> to vector<512x64xf32>
    %swap3A_409 = vector.shape_cast %add3A_403 : vector<512x64xf32> to vector<1x512x64xf32>
    tpu.vector_store %arg12[%swap3A_404, %swap3A_405, %swap3A_406], %swap3A_409 {strides = array<i32>} : memref<16x512x64xf32, #tpu.memory_space<vmem>>, vector<1x512x64xf32>,
    %get3A_410 = arith.constant 9 : index
    %get3A_411 = arith.constant 0 : index
    %get3A_412 = arith.constant 0 : index
    %get3A_413 = vector.load %arg6[%get3A_410, %get3A_411, %get3A_412] : memref<16x64x256xf32, #tpu.memory_space<vmem>>, vector<1x64x256xf32>
    %get3A_414 = vector.shape_cast %get3A_413 : vector<1x64x256xf32> to vector<64x256xf32>
    %dot_general3A_415 = arith.constant dense<0.000000e+00> : vector<512x256xf32>
    %dot_general3A_416 = tpu.matmul %get3A_40, %get3A_414, %dot_general3A_415 {dimension_numbers = #tpu.dot_dimension_numbers<[1], [0], [0], [1], [0, 0, 1, 1], [], []>, transpose_lhs_hint = false} : vector<512x64xf32>, vector<64x256xf32>, vector<512x256xf32> -> vector<512x256xf32>
    %get3A_417 = arith.constant 9 : index
    %get3A_418 = arith.constant 0 : index
    %get3A_419 = vector.load %arg7[%get3A_417, %get3A_418] : memref<16x256xf32, #tpu.memory_space<vmem>>, vector<1x256xf32>
    %add3A_420 = vector.broadcast %get3A_419 : vector<1x256xf32> to vector<512x256xf32>
    %add3A_421 = arith.addf %dot_general3A_416, %add3A_420 : vector<512x256xf32>
    %logistic3A_422 = arith.negf %add3A_421 : vector<512x256xf32>
    %logistic3A_423 = math.exp %logistic3A_422 : vector<512x256xf32>
    %logistic3A_424 = arith.constant 1.000000e+00 : f32
    %logistic3A_425 = vector.broadcast %logistic3A_424 : f32 to vector<512x256xf32>
    %logistic3A_426 = arith.addf %logistic3A_425, %logistic3A_423 : vector<512x256xf32>
    %logistic3A_427 = arith.divf %logistic3A_425, %logistic3A_426 : vector<512x256xf32>
    %mul3A_428 = arith.mulf %add3A_421, %logistic3A_427 : vector<512x256xf32>
    %get3A_429 = arith.constant 9 : index
    %get3A_430 = arith.constant 0 : index
    %get3A_431 = arith.constant 0 : index
    %get3A_432 = vector.load %arg8[%get3A_429, %get3A_430, %get3A_431] : memref<16x256x64xf32, #tpu.memory_space<vmem>>, vector<1x256x64xf32>
    %get3A_433 = vector.shape_cast %get3A_432 : vector<1x256x64xf32> to vector<256x64xf32>
    %dot_general3A_434 = arith.constant dense<0.000000e+00> : vector<512x64xf32>
    %dot_general3A_435 = tpu.matmul %mul3A_428, %get3A_433, %dot_general3A_434 {dimension_numbers = #tpu.dot_dimension_numbers<[1], [0], [0], [1], [0, 0, 1, 1], [], []>, transpose_lhs_hint = false} : vector<512x256xf32>, vector<256x64xf32>, vector<512x64xf32> -> vector<512x64xf32>
    %get3A_436 = arith.constant 9 : index
    %get3A_437 = arith.constant 0 : index
    %get3A_438 = vector.load %arg9[%get3A_436, %get3A_437] : memref<16x64xf32, #tpu.memory_space<vmem>>, vector<1x64xf32>
    %add3A_439 = vector.broadcast %get3A_438 : vector<1x64xf32> to vector<512x64xf32>
    %add3A_440 = arith.addf %dot_general3A_435, %add3A_439 : vector<512x64xf32>
    %mul3A_441 = arith.constant 1.000000e-01 : f32
    %mul3A_442 = vector.broadcast %mul3A_441 : f32 to vector<512x64xf32>
    %mul3A_443 = arith.mulf %mul3A_442, %add3A_440 : vector<512x64xf32>
    %add3A_444 = arith.addf %get3A_40, %mul3A_443 : vector<512x64xf32>
    %swap3A_445 = arith.constant 9 : index
    %swap3A_446 = arith.constant 0 : index
    %swap3A_447 = arith.constant 0 : index
    %swap3A_448 = vector.load %arg12[%swap3A_445, %swap3A_446, %swap3A_447] : memref<16x512x64xf32, #tpu.memory_space<vmem>>, vector<1x512x64xf32>
    %swap3A_449 = vector.shape_cast %swap3A_448 : vector<1x512x64xf32> to vector<512x64xf32>
    %swap3A_450 = vector.shape_cast %add3A_444 : vector<512x64xf32> to vector<1x512x64xf32>
    tpu.vector_store %arg12[%swap3A_445, %swap3A_446, %swap3A_447], %swap3A_450 {strides = array<i32>} : memref<16x512x64xf32, #tpu.memory_space<vmem>>, vector<1x512x64xf32>,
    %get3A_451 = arith.constant 10 : index
    %get3A_452 = arith.constant 0 : index
    %get3A_453 = arith.constant 0 : index
    %get3A_454 = vector.load %arg6[%get3A_451, %get3A_452, %get3A_453] : memref<16x64x256xf32, #tpu.memory_space<vmem>>, vector<1x64x256xf32>
    %get3A_455 = vector.shape_cast %get3A_454 : vector<1x64x256xf32> to vector<64x256xf32>
    %dot_general3A_456 = arith.constant dense<0.000000e+00> : vector<512x256xf32>
    %dot_general3A_457 = tpu.matmul %get3A_40, %get3A_455, %dot_general3A_456 {dimension_numbers = #tpu.dot_dimension_numbers<[1], [0], [0], [1], [0, 0, 1, 1], [], []>, transpose_lhs_hint = false} : vector<512x64xf32>, vector<64x256xf32>, vector<512x256xf32> -> vector<512x256xf32>
    %get3A_458 = arith.constant 10 : index
    %get3A_459 = arith.constant 0 : index
    %get3A_460 = vector.load %arg7[%get3A_458, %get3A_459] : memref<16x256xf32, #tpu.memory_space<vmem>>, vector<1x256xf32>
    %add3A_461 = vector.broadcast %get3A_460 : vector<1x256xf32> to vector<512x256xf32>
    %add3A_462 = arith.addf %dot_general3A_457, %add3A_461 : vector<512x256xf32>
    %logistic3A_463 = arith.negf %add3A_462 : vector<512x256xf32>
    %logistic3A_464 = math.exp %logistic3A_463 : vector<512x256xf32>
    %logistic3A_465 = arith.constant 1.000000e+00 : f32
    %logistic3A_466 = vector.broadcast %logistic3A_465 : f32 to vector<512x256xf32>
    %logistic3A_467 = arith.addf %logistic3A_466, %logistic3A_464 : vector<512x256xf32>
    %logistic3A_468 = arith.divf %logistic3A_466, %logistic3A_467 : vector<512x256xf32>
    %mul3A_469 = arith.mulf %add3A_462, %logistic3A_468 : vector<512x256xf32>
    %get3A_470 = arith.constant 10 : index
    %get3A_471 = arith.constant 0 : index
    %get3A_472 = arith.constant 0 : index
    %get3A_473 = vector.load %arg8[%get3A_470, %get3A_471, %get3A_472] : memref<16x256x64xf32, #tpu.memory_space<vmem>>, vector<1x256x64xf32>
    %get3A_474 = vector.shape_cast %get3A_473 : vector<1x256x64xf32> to vector<256x64xf32>
    %dot_general3A_475 = arith.constant dense<0.000000e+00> : vector<512x64xf32>
    %dot_general3A_476 = tpu.matmul %mul3A_469, %get3A_474, %dot_general3A_475 {dimension_numbers = #tpu.dot_dimension_numbers<[1], [0], [0], [1], [0, 0, 1, 1], [], []>, transpose_lhs_hint = false} : vector<512x256xf32>, vector<256x64xf32>, vector<512x64xf32> -> vector<512x64xf32>
    %get3A_477 = arith.constant 10 : index
    %get3A_478 = arith.constant 0 : index
    %get3A_479 = vector.load %arg9[%get3A_477, %get3A_478] : memref<16x64xf32, #tpu.memory_space<vmem>>, vector<1x64xf32>
    %add3A_480 = vector.broadcast %get3A_479 : vector<1x64xf32> to vector<512x64xf32>
    %add3A_481 = arith.addf %dot_general3A_476, %add3A_480 : vector<512x64xf32>
    %mul3A_482 = arith.constant 1.000000e-01 : f32
    %mul3A_483 = vector.broadcast %mul3A_482 : f32 to vector<512x64xf32>
    %mul3A_484 = arith.mulf %mul3A_483, %add3A_481 : vector<512x64xf32>
    %add3A_485 = arith.addf %get3A_40, %mul3A_484 : vector<512x64xf32>
    %swap3A_486 = arith.constant 10 : index
    %swap3A_487 = arith.constant 0 : index
    %swap3A_488 = arith.constant 0 : index
    %swap3A_489 = vector.load %arg12[%swap3A_486, %swap3A_487, %swap3A_488] : memref<16x512x64xf32, #tpu.memory_space<vmem>>, vector<1x512x64xf32>
    %swap3A_490 = vector.shape_cast %swap3A_489 : vector<1x512x64xf32> to vector<512x64xf32>
    %swap3A_491 = vector.shape_cast %add3A_485 : vector<512x64xf32> to vector<1x512x64xf32>
    tpu.vector_store %arg12[%swap3A_486, %swap3A_487, %swap3A_488], %swap3A_491 {strides = array<i32>} : memref<16x512x64xf32, #tpu.memory_space<vmem>>, vector<1x512x64xf32>,
    %get3A_492 = arith.constant 11 : index
    %get3A_493 = arith.constant 0 : index
    %get3A_494 = arith.constant 0 : index
    %get3A_495 = vector.load %arg6[%get3A_492, %get3A_493, %get3A_494] : memref<16x64x256xf32, #tpu.memory_space<vmem>>, vector<1x64x256xf32>
    %get3A_496 = vector.shape_cast %get3A_495 : vector<1x64x256xf32> to vector<64x256xf32>
    %dot_general3A_497 = arith.constant dense<0.000000e+00> : vector<512x256xf32>
    %dot_general3A_498 = tpu.matmul %get3A_40, %get3A_496, %dot_general3A_497 {dimension_numbers = #tpu.dot_dimension_numbers<[1], [0], [0], [1], [0, 0, 1, 1], [], []>, transpose_lhs_hint = false} : vector<512x64xf32>, vector<64x256xf32>, vector<512x256xf32> -> vector<512x256xf32>
    %get3A_499 = arith.constant 11 : index
    %get3A_500 = arith.constant 0 : index
    %get3A_501 = vector.load %arg7[%get3A_499, %get3A_500] : memref<16x256xf32, #tpu.memory_space<vmem>>, vector<1x256xf32>
    %add3A_502 = vector.broadcast %get3A_501 : vector<1x256xf32> to vector<512x256xf32>
    %add3A_503 = arith.addf %dot_general3A_498, %add3A_502 : vector<512x256xf32>
    %logistic3A_504 = arith.negf %add3A_503 : vector<512x256xf32>
    %logistic3A_505 = math.exp %logistic3A_504 : vector<512x256xf32>
    %logistic3A_506 = arith.constant 1.000000e+00 : f32
    %logistic3A_507 = vector.broadcast %logistic3A_506 : f32 to vector<512x256xf32>
    %logistic3A_508 = arith.addf %logistic3A_507, %logistic3A_505 : vector<512x256xf32>
    %logistic3A_509 = arith.divf %logistic3A_507, %logistic3A_508 : vector<512x256xf32>
    %mul3A_510 = arith.mulf %add3A_503, %logistic3A_509 : vector<512x256xf32>
    %get3A_511 = arith.constant 11 : index
    %get3A_512 = arith.constant 0 : index
    %get3A_513 = arith.constant 0 : index
    %get3A_514 = vector.load %arg8[%get3A_511, %get3A_512, %get3A_513] : memref<16x256x64xf32, #tpu.memory_space<vmem>>, vector<1x256x64xf32>
    %get3A_515 = vector.shape_cast %get3A_514 : vector<1x256x64xf32> to vector<256x64xf32>
    %dot_general3A_516 = arith.constant dense<0.000000e+00> : vector<512x64xf32>
    %dot_general3A_517 = tpu.matmul %mul3A_510, %get3A_515, %dot_general3A_516 {dimension_numbers = #tpu.dot_dimension_numbers<[1], [0], [0], [1], [0, 0, 1, 1], [], []>, transpose_lhs_hint = false} : vector<512x256xf32>, vector<256x64xf32>, vector<512x64xf32> -> vector<512x64xf32>
    %get3A_518 = arith.constant 11 : index
    %get3A_519 = arith.constant 0 : index
    %get3A_520 = vector.load %arg9[%get3A_518, %get3A_519] : memref<16x64xf32, #tpu.memory_space<vmem>>, vector<1x64xf32>
    %add3A_521 = vector.broadcast %get3A_520 : vector<1x64xf32> to vector<512x64xf32>
    %add3A_522 = arith.addf %dot_general3A_517, %add3A_521 : vector<512x64xf32>
    %mul3A_523 = arith.constant 1.000000e-01 : f32
    %mul3A_524 = vector.broadcast %mul3A_523 : f32 to vector<512x64xf32>
    %mul3A_525 = arith.mulf %mul3A_524, %add3A_522 : vector<512x64xf32>
    %add3A_526 = arith.addf %get3A_40, %mul3A_525 : vector<512x64xf32>
    %swap3A_527 = arith.constant 11 : index
    %swap3A_528 = arith.constant 0 : index
    %swap3A_529 = arith.constant 0 : index
    %swap3A_530 = vector.load %arg12[%swap3A_527, %swap3A_528, %swap3A_529] : memref<16x512x64xf32, #tpu.memory_space<vmem>>, vector<1x512x64xf32>
    %swap3A_531 = vector.shape_cast %swap3A_530 : vector<1x512x64xf32> to vector<512x64xf32>
    %swap3A_532 = vector.shape_cast %add3A_526 : vector<512x64xf32> to vector<1x512x64xf32>
    tpu.vector_store %arg12[%swap3A_527, %swap3A_528, %swap3A_529], %swap3A_532 {strides = array<i32>} : memref<16x512x64xf32, #tpu.memory_space<vmem>>, vector<1x512x64xf32>,
    %get3A_533 = arith.constant 12 : index
    %get3A_534 = arith.constant 0 : index
    %get3A_535 = arith.constant 0 : index
    %get3A_536 = vector.load %arg6[%get3A_533, %get3A_534, %get3A_535] : memref<16x64x256xf32, #tpu.memory_space<vmem>>, vector<1x64x256xf32>
    %get3A_537 = vector.shape_cast %get3A_536 : vector<1x64x256xf32> to vector<64x256xf32>
    %dot_general3A_538 = arith.constant dense<0.000000e+00> : vector<512x256xf32>
    %dot_general3A_539 = tpu.matmul %get3A_40, %get3A_537, %dot_general3A_538 {dimension_numbers = #tpu.dot_dimension_numbers<[1], [0], [0], [1], [0, 0, 1, 1], [], []>, transpose_lhs_hint = false} : vector<512x64xf32>, vector<64x256xf32>, vector<512x256xf32> -> vector<512x256xf32>
    %get3A_540 = arith.constant 12 : index
    %get3A_541 = arith.constant 0 : index
    %get3A_542 = vector.load %arg7[%get3A_540, %get3A_541] : memref<16x256xf32, #tpu.memory_space<vmem>>, vector<1x256xf32>
    %add3A_543 = vector.broadcast %get3A_542 : vector<1x256xf32> to vector<512x256xf32>
    %add3A_544 = arith.addf %dot_general3A_539, %add3A_543 : vector<512x256xf32>
    %logistic3A_545 = arith.negf %add3A_544 : vector<512x256xf32>
    %logistic3A_546 = math.exp %logistic3A_545 : vector<512x256xf32>
    %logistic3A_547 = arith.constant 1.000000e+00 : f32
    %logistic3A_548 = vector.broadcast %logistic3A_547 : f32 to vector<512x256xf32>
    %logistic3A_549 = arith.addf %logistic3A_548, %logistic3A_546 : vector<512x256xf32>
    %logistic3A_550 = arith.divf %logistic3A_548, %logistic3A_549 : vector<512x256xf32>
    %mul3A_551 = arith.mulf %add3A_544, %logistic3A_550 : vector<512x256xf32>
    %get3A_552 = arith.constant 12 : index
    %get3A_553 = arith.constant 0 : index
    %get3A_554 = arith.constant 0 : index
    %get3A_555 = vector.load %arg8[%get3A_552, %get3A_553, %get3A_554] : memref<16x256x64xf32, #tpu.memory_space<vmem>>, vector<1x256x64xf32>
    %get3A_556 = vector.shape_cast %get3A_555 : vector<1x256x64xf32> to vector<256x64xf32>
    %dot_general3A_557 = arith.constant dense<0.000000e+00> : vector<512x64xf32>
    %dot_general3A_558 = tpu.matmul %mul3A_551, %get3A_556, %dot_general3A_557 {dimension_numbers = #tpu.dot_dimension_numbers<[1], [0], [0], [1], [0, 0, 1, 1], [], []>, transpose_lhs_hint = false} : vector<512x256xf32>, vector<256x64xf32>, vector<512x64xf32> -> vector<512x64xf32>
    %get3A_559 = arith.constant 12 : index
    %get3A_560 = arith.constant 0 : index
    %get3A_561 = vector.load %arg9[%get3A_559, %get3A_560] : memref<16x64xf32, #tpu.memory_space<vmem>>, vector<1x64xf32>
    %add3A_562 = vector.broadcast %get3A_561 : vector<1x64xf32> to vector<512x64xf32>
    %add3A_563 = arith.addf %dot_general3A_558, %add3A_562 : vector<512x64xf32>
    %mul3A_564 = arith.constant 1.000000e-01 : f32
    %mul3A_565 = vector.broadcast %mul3A_564 : f32 to vector<512x64xf32>
    %mul3A_566 = arith.mulf %mul3A_565, %add3A_563 : vector<512x64xf32>
    %add3A_567 = arith.addf %get3A_40, %mul3A_566 : vector<512x64xf32>
    %swap3A_568 = arith.constant 12 : index
    %swap3A_569 = arith.constant 0 : index
    %swap3A_570 = arith.constant 0 : index
    %swap3A_571 = vector.load %arg12[%swap3A_568, %swap3A_569, %swap3A_570] : memref<16x512x64xf32, #tpu.memory_space<vmem>>, vector<1x512x64xf32>
    %swap3A_572 = vector.shape_cast %swap3A_571 : vector<1x512x64xf32> to vector<512x64xf32>
    %swap3A_573 = vector.shape_cast %add3A_567 : vector<512x64xf32> to vector<1x512x64xf32>
    tpu.vector_store %arg12[%swap3A_568, %swap3A_569, %swap3A_570], %swap3A_573 {strides = array<i32>} : memref<16x512x64xf32, #tpu.memory_space<vmem>>, vector<1x512x64xf32>,
    %get3A_574 = arith.constant 13 : index
    %get3A_575 = arith.constant 0 : index
    %get3A_576 = arith.constant 0 : index
    %get3A_577 = vector.load %arg6[%get3A_574, %get3A_575, %get3A_576] : memref<16x64x256xf32, #tpu.memory_space<vmem>>, vector<1x64x256xf32>
    %get3A_578 = vector.shape_cast %get3A_577 : vector<1x64x256xf32> to vector<64x256xf32>
    %dot_general3A_579 = arith.constant dense<0.000000e+00> : vector<512x256xf32>
    %dot_general3A_580 = tpu.matmul %get3A_40, %get3A_578, %dot_general3A_579 {dimension_numbers = #tpu.dot_dimension_numbers<[1], [0], [0], [1], [0, 0, 1, 1], [], []>, transpose_lhs_hint = false} : vector<512x64xf32>, vector<64x256xf32>, vector<512x256xf32> -> vector<512x256xf32>
    %get3A_581 = arith.constant 13 : index
    %get3A_582 = arith.constant 0 : index
    %get3A_583 = vector.load %arg7[%get3A_581, %get3A_582] : memref<16x256xf32, #tpu.memory_space<vmem>>, vector<1x256xf32>
    %add3A_584 = vector.broadcast %get3A_583 : vector<1x256xf32> to vector<512x256xf32>
    %add3A_585 = arith.addf %dot_general3A_580, %add3A_584 : vector<512x256xf32>
    %logistic3A_586 = arith.negf %add3A_585 : vector<512x256xf32>
    %logistic3A_587 = math.exp %logistic3A_586 : vector<512x256xf32>
    %logistic3A_588 = arith.constant 1.000000e+00 : f32
    %logistic3A_589 = vector.broadcast %logistic3A_588 : f32 to vector<512x256xf32>
    %logistic3A_590 = arith.addf %logistic3A_589, %logistic3A_587 : vector<512x256xf32>
    %logistic3A_591 = arith.divf %logistic3A_589, %logistic3A_590 : vector<512x256xf32>
    %mul3A_592 = arith.mulf %add3A_585, %logistic3A_591 : vector<512x256xf32>
    %get3A_593 = arith.constant 13 : index
    %get3A_594 = arith.constant 0 : index
    %get3A_595 = arith.constant 0 : index
    %get3A_596 = vector.load %arg8[%get3A_593, %get3A_594, %get3A_595] : memref<16x256x64xf32, #tpu.memory_space<vmem>>, vector<1x256x64xf32>
    %get3A_597 = vector.shape_cast %get3A_596 : vector<1x256x64xf32> to vector<256x64xf32>
    %dot_general3A_598 = arith.constant dense<0.000000e+00> : vector<512x64xf32>
    %dot_general3A_599 = tpu.matmul %mul3A_592, %get3A_597, %dot_general3A_598 {dimension_numbers = #tpu.dot_dimension_numbers<[1], [0], [0], [1], [0, 0, 1, 1], [], []>, transpose_lhs_hint = false} : vector<512x256xf32>, vector<256x64xf32>, vector<512x64xf32> -> vector<512x64xf32>
    %get3A_600 = arith.constant 13 : index
    %get3A_601 = arith.constant 0 : index
    %get3A_602 = vector.load %arg9[%get3A_600, %get3A_601] : memref<16x64xf32, #tpu.memory_space<vmem>>, vector<1x64xf32>
    %add3A_603 = vector.broadcast %get3A_602 : vector<1x64xf32> to vector<512x64xf32>
    %add3A_604 = arith.addf %dot_general3A_599, %add3A_603 : vector<512x64xf32>
    %mul3A_605 = arith.constant 1.000000e-01 : f32
    %mul3A_606 = vector.broadcast %mul3A_605 : f32 to vector<512x64xf32>
    %mul3A_607 = arith.mulf %mul3A_606, %add3A_604 : vector<512x64xf32>
    %add3A_608 = arith.addf %get3A_40, %mul3A_607 : vector<512x64xf32>
    %swap3A_609 = arith.constant 13 : index
    %swap3A_610 = arith.constant 0 : index
    %swap3A_611 = arith.constant 0 : index
    %swap3A_612 = vector.load %arg12[%swap3A_609, %swap3A_610, %swap3A_611] : memref<16x512x64xf32, #tpu.memory_space<vmem>>, vector<1x512x64xf32>
    %swap3A_613 = vector.shape_cast %swap3A_612 : vector<1x512x64xf32> to vector<512x64xf32>
    %swap3A_614 = vector.shape_cast %add3A_608 : vector<512x64xf32> to vector<1x512x64xf32>
    tpu.vector_store %arg12[%swap3A_609, %swap3A_610, %swap3A_611], %swap3A_614 {strides = array<i32>} : memref<16x512x64xf32, #tpu.memory_space<vmem>>, vector<1x512x64xf32>,
    %get3A_615 = arith.constant 14 : index
    %get3A_616 = arith.constant 0 : index
    %get3A_617 = arith.constant 0 : index
    %get3A_618 = vector.load %arg6[%get3A_615, %get3A_616, %get3A_617] : memref<16x64x256xf32, #tpu.memory_space<vmem>>, vector<1x64x256xf32>
    %get3A_619 = vector.shape_cast %get3A_618 : vector<1x64x256xf32> to vector<64x256xf32>
    %dot_general3A_620 = arith.constant dense<0.000000e+00> : vector<512x256xf32>
    %dot_general3A_621 = tpu.matmul %get3A_40, %get3A_619, %dot_general3A_620 {dimension_numbers = #tpu.dot_dimension_numbers<[1], [0], [0], [1], [0, 0, 1, 1], [], []>, transpose_lhs_hint = false} : vector<512x64xf32>, vector<64x256xf32>, vector<512x256xf32> -> vector<512x256xf32>
    %get3A_622 = arith.constant 14 : index
    %get3A_623 = arith.constant 0 : index
    %get3A_624 = vector.load %arg7[%get3A_622, %get3A_623] : memref<16x256xf32, #tpu.memory_space<vmem>>, vector<1x256xf32>
    %add3A_625 = vector.broadcast %get3A_624 : vector<1x256xf32> to vector<512x256xf32>
    %add3A_626 = arith.addf %dot_general3A_621, %add3A_625 : vector<512x256xf32>
    %logistic3A_627 = arith.negf %add3A_626 : vector<512x256xf32>
    %logistic3A_628 = math.exp %logistic3A_627 : vector<512x256xf32>
    %logistic3A_629 = arith.constant 1.000000e+00 : f32
    %logistic3A_630 = vector.broadcast %logistic3A_629 : f32 to vector<512x256xf32>
    %logistic3A_631 = arith.addf %logistic3A_630, %logistic3A_628 : vector<512x256xf32>
    %logistic3A_632 = arith.divf %logistic3A_630, %logistic3A_631 : vector<512x256xf32>
    %mul3A_633 = arith.mulf %add3A_626, %logistic3A_632 : vector<512x256xf32>
    %get3A_634 = arith.constant 14 : index
    %get3A_635 = arith.constant 0 : index
    %get3A_636 = arith.constant 0 : index
    %get3A_637 = vector.load %arg8[%get3A_634, %get3A_635, %get3A_636] : memref<16x256x64xf32, #tpu.memory_space<vmem>>, vector<1x256x64xf32>
    %get3A_638 = vector.shape_cast %get3A_637 : vector<1x256x64xf32> to vector<256x64xf32>
    %dot_general3A_639 = arith.constant dense<0.000000e+00> : vector<512x64xf32>
    %dot_general3A_640 = tpu.matmul %mul3A_633, %get3A_638, %dot_general3A_639 {dimension_numbers = #tpu.dot_dimension_numbers<[1], [0], [0], [1], [0, 0, 1, 1], [], []>, transpose_lhs_hint = false} : vector<512x256xf32>, vector<256x64xf32>, vector<512x64xf32> -> vector<512x64xf32>
    %get3A_641 = arith.constant 14 : index
    %get3A_642 = arith.constant 0 : index
    %get3A_643 = vector.load %arg9[%get3A_641, %get3A_642] : memref<16x64xf32, #tpu.memory_space<vmem>>, vector<1x64xf32>
    %add3A_644 = vector.broadcast %get3A_643 : vector<1x64xf32> to vector<512x64xf32>
    %add3A_645 = arith.addf %dot_general3A_640, %add3A_644 : vector<512x64xf32>
    %mul3A_646 = arith.constant 1.000000e-01 : f32
    %mul3A_647 = vector.broadcast %mul3A_646 : f32 to vector<512x64xf32>
    %mul3A_648 = arith.mulf %mul3A_647, %add3A_645 : vector<512x64xf32>
    %add3A_649 = arith.addf %get3A_40, %mul3A_648 : vector<512x64xf32>
    %swap3A_650 = arith.constant 14 : index
    %swap3A_651 = arith.constant 0 : index
    %swap3A_652 = arith.constant 0 : index
    %swap3A_653 = vector.load %arg12[%swap3A_650, %swap3A_651, %swap3A_652] : memref<16x512x64xf32, #tpu.memory_space<vmem>>, vector<1x512x64xf32>
    %swap3A_654 = vector.shape_cast %swap3A_653 : vector<1x512x64xf32> to vector<512x64xf32>
    %swap3A_655 = vector.shape_cast %add3A_649 : vector<512x64xf32> to vector<1x512x64xf32>
    tpu.vector_store %arg12[%swap3A_650, %swap3A_651, %swap3A_652], %swap3A_655 {strides = array<i32>} : memref<16x512x64xf32, #tpu.memory_space<vmem>>, vector<1x512x64xf32>,
    %get3A_656 = arith.constant 15 : index
    %get3A_657 = arith.constant 0 : index
    %get3A_658 = arith.constant 0 : index
    %get3A_659 = vector.load %arg6[%get3A_656, %get3A_657, %get3A_658] : memref<16x64x256xf32, #tpu.memory_space<vmem>>, vector<1x64x256xf32>
    %get3A_660 = vector.shape_cast %get3A_659 : vector<1x64x256xf32> to vector<64x256xf32>
    %dot_general3A_661 = arith.constant dense<0.000000e+00> : vector<512x256xf32>
    %dot_general3A_662 = tpu.matmul %get3A_40, %get3A_660, %dot_general3A_661 {dimension_numbers = #tpu.dot_dimension_numbers<[1], [0], [0], [1], [0, 0, 1, 1], [], []>, transpose_lhs_hint = false} : vector<512x64xf32>, vector<64x256xf32>, vector<512x256xf32> -> vector<512x256xf32>
    %get3A_663 = arith.constant 15 : index
    %get3A_664 = arith.constant 0 : index
    %get3A_665 = vector.load %arg7[%get3A_663, %get3A_664] : memref<16x256xf32, #tpu.memory_space<vmem>>, vector<1x256xf32>
    %add3A_666 = vector.broadcast %get3A_665 : vector<1x256xf32> to vector<512x256xf32>
    %add3A_667 = arith.addf %dot_general3A_662, %add3A_666 : vector<512x256xf32>
    %logistic3A_668 = arith.negf %add3A_667 : vector<512x256xf32>
    %logistic3A_669 = math.exp %logistic3A_668 : vector<512x256xf32>
    %logistic3A_670 = arith.constant 1.000000e+00 : f32
    %logistic3A_671 = vector.broadcast %logistic3A_670 : f32 to vector<512x256xf32>
    %logistic3A_672 = arith.addf %logistic3A_671, %logistic3A_669 : vector<512x256xf32>
    %logistic3A_673 = arith.divf %logistic3A_671, %logistic3A_672 : vector<512x256xf32>
    %mul3A_674 = arith.mulf %add3A_667, %logistic3A_673 : vector<512x256xf32>
    %get3A_675 = arith.constant 15 : index
    %get3A_676 = arith.constant 0 : index
    %get3A_677 = arith.constant 0 : index
    %get3A_678 = vector.load %arg8[%get3A_675, %get3A_676, %get3A_677] : memref<16x256x64xf32, #tpu.memory_space<vmem>>, vector<1x256x64xf32>
    %get3A_679 = vector.shape_cast %get3A_678 : vector<1x256x64xf32> to vector<256x64xf32>
    %dot_general3A_680 = arith.constant dense<0.000000e+00> : vector<512x64xf32>
    %dot_general3A_681 = tpu.matmul %mul3A_674, %get3A_679, %dot_general3A_680 {dimension_numbers = #tpu.dot_dimension_numbers<[1], [0], [0], [1], [0, 0, 1, 1], [], []>, transpose_lhs_hint = false} : vector<512x256xf32>, vector<256x64xf32>, vector<512x64xf32> -> vector<512x64xf32>
    %get3A_682 = arith.constant 15 : index
    %get3A_683 = arith.constant 0 : index
    %get3A_684 = vector.load %arg9[%get3A_682, %get3A_683] : memref<16x64xf32, #tpu.memory_space<vmem>>, vector<1x64xf32>
    %add3A_685 = vector.broadcast %get3A_684 : vector<1x64xf32> to vector<512x64xf32>
    %add3A_686 = arith.addf %dot_general3A_681, %add3A_685 : vector<512x64xf32>
    %mul3A_687 = arith.constant 1.000000e-01 : f32
    %mul3A_688 = vector.broadcast %mul3A_687 : f32 to vector<512x64xf32>
    %mul3A_689 = arith.mulf %mul3A_688, %add3A_686 : vector<512x64xf32>
    %add3A_690 = arith.addf %get3A_40, %mul3A_689 : vector<512x64xf32>
    %swap3A_691 = arith.constant 15 : index
    %swap3A_692 = arith.constant 0 : index
    %swap3A_693 = arith.constant 0 : index
    %swap3A_694 = vector.load %arg12[%swap3A_691, %swap3A_692, %swap3A_693] : memref<16x512x64xf32, #tpu.memory_space<vmem>>, vector<1x512x64xf32>
    %swap3A_695 = vector.shape_cast %swap3A_694 : vector<1x512x64xf32> to vector<512x64xf32>
    %swap3A_696 = vector.shape_cast %add3A_690 : vector<512x64xf32> to vector<1x512x64xf32>
    tpu.vector_store %arg12[%swap3A_691, %swap3A_692, %swap3A_693], %swap3A_696 {strides = array<i32>} : memref<16x512x64xf32, #tpu.memory_space<vmem>>, vector<1x512x64xf32>,
    return
  }
}

module attributes {stable_mosaic.version = 14 : i64} {
  func.func @_mix_kernel(%arg0: i32, %arg1: memref<128x16xf32, #tpu.memory_space<vmem>>, %arg2: memref<16x32768xf32, #tpu.memory_space<vmem>>, %arg3: memref<128x32768xf32, #tpu.memory_space<vmem>>) attributes {dimension_semantics = [#tpu.dimension_semantics<arbitrary>], iteration_bounds = array<i64: 2>, scalar_prefetch = 0 : i64, scratch_operands = 0 : i64, tpu.core_type = #tpu.core_type<tc>, window_params = [{transform_indices = @transform_0, window_bounds = array<i64: 128, 16>}, {pipeline_mode = #tpu.pipeline_mode<synchronous>, transform_indices = @transform_1, window_bounds = array<i64: 16, 32768>}, {transform_indices = @transform_2, window_bounds = array<i64: 128, 32768>}]} {
    %get3A = arith.constant 0 : index
    %get3A_0 = arith.constant 0 : index
    %get3A_1 = vector.load %arg1[%get3A, %get3A_0] : memref<128x16xf32, #tpu.memory_space<vmem>>, vector<128x16xf32>
    %get3A_2 = arith.constant 0 : index
    %get3A_3 = arith.constant 0 : index
    %get3A_4 = vector.load %arg2[%get3A_2, %get3A_3] : memref<16x32768xf32, #tpu.memory_space<vmem>>, vector<16x32768xf32>
    %dot_general3A = arith.constant dense<0.000000e+00> : vector<128x32768xf32>
    %dot_general3A_5 = tpu.matmul %get3A_1, %get3A_4, %dot_general3A {dimension_numbers = #tpu.dot_dimension_numbers<[1], [0], [0], [1], [0, 0, 1, 1], [], []>, transpose_lhs_hint = false} : vector<128x16xf32>, vector<16x32768xf32>, vector<128x32768xf32> -> vector<128x32768xf32>
    %swap3A = arith.constant 0 : index
    %swap3A_6 = arith.constant 0 : index
    %swap3A_7 = vector.load %arg3[%swap3A, %swap3A_6] : memref<128x32768xf32, #tpu.memory_space<vmem>>, vector<128x32768xf32>
    tpu.vector_store %arg3[%swap3A, %swap3A_6], %dot_general3A_5 {strides = array<i32>} : memref<128x32768xf32, #tpu.memory_space<vmem>>, vector<128x32768xf32>,
    return
  }
  func.func @transform_0(%arg0: i32) -> (i32, i32) {
    %c0_i32 = arith.constant 0 : i32
    %c0_i32_0 = arith.constant 0 : i32
    return %arg0, %c0_i32 : i32, i32
  }
  func.func @transform_1(%arg0: i32) -> (i32, i32) {
    %c0_i32 = arith.constant 0 : i32
    %c0_i32_0 = arith.constant 0 : i32
    %c0_i32_1 = arith.constant 0 : i32
    return %c0_i32, %c0_i32_0 : i32, i32
  }
  func.func @transform_2(%arg0: i32) -> (i32, i32) {
    %c0_i32 = arith.constant 0 : i32
    %c0_i32_0 = arith.constant 0 : i32
    return %arg0, %c0_i32 : i32, i32
  }
}

</mosaic_0001>

<sc_bundles>
// kernel: sparse-core-data-format-call.cloned.1.call-start
scs
called_computation_lowered:
.L_overlay_start_0:
0x0: {  	s2 =	sld [smem:$0x3FD9]  }
0x1: {  	s3 =	sld [smem:$0x3FFE];
	_ =	sdelay $0x1  }
0x2: {  	s1 =	srdreg.scid  }
0x3: {  	s0 =	sand.u32 $0x1, s1  }
0x4: {  	s15 =	sshll.u32 s0, $0xA;
	s2 =	sadd.s32 s3, s2  }
0x5: {  	s2 =	sadd.s32 s2, s15  }
0x6: {  	[smem:$0x3FBE] =	sst s2  }
0x7: {  	_ = 	snop  }
0x8: {  	s2 =	sld [smem:$0x3FD0];
	_ =	sdelay $0x2  }
0x9: {  	s16 =	simm.s32 $0xA;
	s4 =	simm.s32 $0x10  }
0xa: {  	[smem:s4], [sflag:s16] =	dma.local [hbm:s2], $0x1  }
0xb: {  	_ =	swait.eq [sflag:s16], $0x1  }
0xc: {  	[sflag:s16] =	ssyncset.done $0x0  }
0xd: {  	[sflag:s16] =	ssyncadd.s32 $0xFFFFFFFF  }
0xe: {  	s17 =	sld [smem:$0x10];
	(tm) =	ssettm $0x1  }
0xf: {  	s18 =	sld [smem:$0x3FFB];
	_ =	sdelay $0x3  }
0x10: {  	_ =	strace s18  }
0x11: {  	s3 =	sld [smem:$0x3FFC];
	_ =	sdelay $0x3  }
0x12: {  	_ =	strace s3  }
0x13: {  	s3 =	sld [smem:$0x3FFD];
	_ =	sdelay $0x3  }
0x14: {  	_ =	strace s3  }
0x15: {  	_ =	strace $0x8FFFFFFF  }
0x16: {  	s19 =	sld [smem:$0x3FDB];
	_ =	sdelay $0x1  }
0x17: {  	s20 =	simm.s32 $_scs_section_size  }
0x18: {  	s5 =	simm.s32 $_size__tile_overlayer_lowered;
	s6 =	simm.s32 $_tile_overlayer_lowered  }
0x19: {  	s23 =	simm.s32 $0x1BFF;
	s22 =	sshll.u32 s6, $0x1;
	s3 =	sadd.s32 s20, s19  }
0x1a: {  	s7 =	simm.s32 $0x0;
	s21 =	sshll.u32 s5, $0x1;
	s5 =	sadd.s32 s22, s3  }
0x1b: {  	[timem:s7], [sflag:s23] =	dma.local [hbm:s5], s21  }
0x1c: {  	_ =	swait.ge [sflag:s23], s21  }
0x1d: {  	s4 =	ssub.s32 $0x0, s21;
	[sflag:s23] =	ssyncset.done $0x0  }
0x1e: {  	[sflag:s23] =	ssyncadd.s32 s4;
	_ =	sdelay $0x1  }
0x1f: {  	s24 =	simm.s32 $0x1B8B  }
0x20: {  	_ =	swait.ge [sflag:s24], $0x1  }
0x21: {  	[sflag:s24] =	ssyncset.done $0x0  }
0x22: {  	s26 =	simm.s32 $0x1B8E;
	s25 =	sld [smem:$0x3FFE];
	[sflag:s24] =	ssyncadd.s32 $0xFFFFFFFF  }
0x23: {  	s27 =	simm.s32 $execute0_lowered;
	[smem:$0x3FD2] =	sst s26  }
0x24: {  	s5 =	sshll.u32 s27, $0x1;
	_ =	strace $0x80000046;
	[dreg:$0x1] =	wrdreg $0xFFFFFFFF  }
0x25: {  	s28 =	simm.s32 $_size_execute0_lowered;
	s3 =	sadd.s32 s3, s5;
	[dreg:$0x0] =	wrdreg $0x0  }
0x26: {  	s5 =	sshll.u32 s28, $0x1;
	[dreg:$0x2] =	wrdreg s3  }
0x27: {  	[dreg:$0x3] =	wrdreg s5  }
0x28: {  	[dreg:$0x4] =	wrdreg $0xC0  }
0x29: {  	_ =	task [dreg:s7], $0x5FFFF  }
0x2a: {  	[dreg:$0x1] =	wrdreg $0xFFFFFFFF  }
0x2b: {  	[dreg:$0x0] =	wrdreg $0x60  }
0x2c: {  	[dreg:$0x2] =	wrdreg s25  }
0x2d: {  	[dreg:$0x3] =	wrdreg s17  }
0x2e: {  	[dreg:$0x4] =	wrdreg $0x9  }
0x2f: {  	_ =	task.clear_ibuf [dreg:s7], $0x5FFFF;
	_ =	strace $0x90000046  }
0x30: {  	s29 =	simm.s32 $0x9;
	_ =	strace $0x80000048  }
0x31: {  	_ =	swait.ge [sflag:s29], $0x1  }
0x32: {  	[sflag:s29] =	ssyncadd.s32 $0xFFFFFFFF  }
0x33: {  	_ =	strace $0x90000048  }
0x34: {  	_ =	sfence  }
0x35: {  	s30 =	sld [smem:$0x0];
	_ =	sdelay $0x2  }
0x36: {  	s31 =	sshll.u32 s1, $0xD;
	s1 =	sshrl.u32 s1, $0x2  }
0x37: {  	s3 =	sand.u32 $0x4000, s31;
	s1 =	sadd.s32 s1, s30  }
0x38: {  	s0 =	sor.u32 s3, s0;
	s1 =	sshll.u32 s1, $0x11  }
0x39: {  	s0 =	sor.u32 s1, s0  }
0x3a: {  	s0 =	sadd.s32 $0x8F2B, s0  }
0x3b: {  	[sflag:s0] =	ssyncadd.remote.s32 $0x1  }
0x3c: {  	_ =	sfence.sel $0xFFFF  }
0x3d: {  	[dreg:$0x0] =	wrdreg $0xFFFFFFFF;
	(pc) =	sbr.abs _section_cstart, $3  }
0x3e: {  	[dreg:$0x1] =	wrdreg $0xFFFFFFFF  }
0x3f: {  	_ =	task.clear_ibuf [dreg:s7], $0x2FFFF;
	_ =	strace $0x9FFFFFFF  }
0x40: {  	(tm) =	ssettm $0x7FFFFFFF  }
0x41: {  	_ =	shalt  }
tec
execute0_lowered:
.L_overlay_start_1:
0x0: {  	(tag) =	ssettag $0x1  }
0x1: {  	s4 =	rddreg [dreg:$0x0]  }
0x2: {  	s0 =	stileid.u32;
	s2 =	rddreg [dreg:$0x1]  }
0x3: {  	s1 =	rddreg [dreg:$0x2];
	_ =	strace $0x80000047;
	s5 =	srdreg.scid  }
0x4: {  	s31 =	simm.s32 $0x2;
	s14 =	simm.s32 $0x0;
	s9 =	simm.s32 $0x8000  }
0x5: {  	s16 =	simm.s32 $0x0;
	s15 =	simm.s32 $0x0;
	s3 =	sshll.u32 s0, $0x7  }
0x6: {  	s10 =	simm.s32 $0x0;
	s5 =	sshll.u32 s5, $0x4;
	s3 =	sand.u32 $0x180, s3  }
0x7: {  	s13 =	simm.s32 $0x0;
	s5 =	sand.u32 $0x10, s5;
	s6 =	ssub.s32 $0x200, s3  }
0x8: {  	s4 =	sadd.s32 $0x405A00, s4;
	s5 =	sor.u32 s0, s5;
	s7 =	sand.u32 $0x180, s6  }
.Ltmp0:
0x9: {  	p0 =	sne.s32 s7, $0x0;
	s7 =	simm.s32 $0x1;
	(pc) =	sbr.rel .LBB1_1-.Ltmp0, $4  }
0xa: {  	s12 =	smov.u32 s3;
	s8 =	sshrl.u32 s6, $0x9;
	s7 =	simm.s32 @!p0 $0x0  }
0xb: {  	s5 =	sshrl.u32 s5, $0x2;
	s6 =	simm.s32 $0x1;
	s7 =	sadd.s32 s7, s8  }
0xc: {  	[sflag:s6] =	ssyncpa.u1 $0x0;
	s11 =	smov.u32 s5;
	s7 =	sshll.u32 s7, $0x6  }
0xd: {  	[sflag:s31] =	ssyncpa.u1 $0x0;
	p0 =	por $0x0, $0x0;
	s8 =	sor.u32 $0x1, s7  }
.LBB1_4:
0xe: {  	v5 =	vld [tilespmem:s19+$0xFFFFFFD0];
	[tilespmem:s20+$0x2040 ss:$0x81] =	vst.msk $0xffff, v1  }
0xf: {  	v58 =	vld [tilespmem:s19+$0xFFFFFFE0];
	[tilespmem:s20+$0x2850 ss:$0x81] =	vst.msk $0xffff, v2  }
0x10: {  	s21 =	sshra.s32 s21, $0x2;
	v59 =	vld [tilespmem:s19+$0xFFFFFFF0];
	[tilespmem:s20+$0x3060 ss:$0x81] =	vst.msk $0xffff, v3  }
0x11: {  	v60 =	vld [tilespmem:s19+$0x0];
	[tilespmem:s20+$0x0 ss:$0x81] =	vst.msk $0xffff, v0;
	s18 =	sadd.s32 s21, s18  }
0x12: {  	v61 =	vld [tilespmem:s19+$0x10];
	s25 =	sshll.u32 s16, $0x9;
	[tilespmem:s18+$0x3870 ss:$0x81] =	vst.msk $0xffff, v4  }
0x13: {  	s26 =	sshll.u32 s15, $0x3;
	v62 =	vld [tilespmem:s19+$0x20];
	s27 =	sshll.u32 s16, $0x7;
	s30 =	sand.u32 $0x78, s15;
	[tilespmem:s18+$0x810 ss:$0x81] =	vst.msk $0xffff, v5  }
0x14: {  	v63 =	vld [tilespmem:s19+$0xFFFFFFC0];
	s14 =	sshll.u32 s14, $0xC;
	s20 =	sand.u32 $0x7000, s25;
	s21 =	sand.u32 $0x7C00, s26;
	[tilespmem:s18+$0x1020 ss:$0x81] =	vst.msk $0xffff, v58  }
0x15: {  	s29 =	sand.u32 $0x200, s27;
	s16 =	sand.u32 $0x180, s27;
	s28 =	sadd.s32 s21, s20;
	[tilespmem:s18+$0x1830 ss:$0x81] =	vst.msk $0xffff, v59  }
0x16: {  	s31 =	sand.u32 $0x7, s15;
	s16 =	sor.u32 s30, s16;
	s19 =	sor.u32 s29, s28;
	[tilespmem:s18+$0x2040 ss:$0x81] =	vst.msk $0xffff, v60  }
0x17: {  	s14 =	sadd.s32 s2, s14;
	s16 =	sshrl.u32 s16, $0x3;
	s19 =	sshrl.u32 s19, $0x3;
	[tilespmem:s18+$0x2850 ss:$0x81] =	vst.msk $0xffff, v61  }
0x18: {  	s15 =	sshll.u32 s31, $0x12;
	s14 =	sadd.s32 s16, s14;
	[tilespmem:s18+$0x3060 ss:$0x81] =	vst.msk $0xffff, v62;
	s19 =	sand.u32 $0xFC0, s19  }
0x19: {  	s15 =	sor.u32 $0x80, s15;
	[tilespmem:s18+$0x0 ss:$0x81] =	vst.msk $0xffff, v63;
	s14 =	sadd.s32 s19, s14  }
0x1a: {  	[hbm4b:s14+s15] =	stream.strided.scatter [tilespmem:s17], [sflag:$0x2], $0x4000, s9, s15, $0x20;
	[tilespmem:$0x10100] =	vst v63  }
.LBB1_5:
0x1b: {  	s17 =	sadd.s32 $0x80, s10  }
0x1c: {  	s14 =	sadd.s32 $0x8, s11;
	s18 =	smov.u32 s11;
	p2 =	sgt.s32 s17, $0x3FF  }
0x1d: {  	s18 =	smov.u32 @p2 s14  }
0x1e: {  	s20 =	smov.u32 s12;
	s14 =	sadd.s32 $0x200, s12;
	p3 =	sgt.s32 s18, $0x3F  }
0x1f: {  	s20 =	smov.u32 @p3 s14  }
0x20: {  	s17 =	simm.s32 @p2 $0x0;
	p2 =	sgt.s32 s20, $0x1FF  }
0x21: {  	p1 =	slt.u32 s13, $0x2;
	s20 =	smov.u32 @p2 s3;
	p2 =	sne.s32 s13, s8  }
.Ltmp1:
0x22: {  	s19 =	simm.s32 @!p1 $0x2;
	(pc) =	sbr.rel @!p2 .LBB1_6-.Ltmp1, $4  }
0x23: {  	s16 =	smov.u32 s11;
	s15 =	smov.u32 s12;
	_ =	swait.ge @!p1 [sflag:s19], $0x4000  }
0x24: {  	p0 =	por !p0, !p0;
	[sflag:s19] =	ssyncset.done @!p1 $0x0;
	s18 =	smov.u32 @p3 s5  }
0x25: {  	s14 =	smov.u32 s10;
	[sflag:s19] =	ssyncadd.s32 @!p1 $0xFFFFC000;
	s10 =	smov.u32 s17  }
0x26: {  	s11 =	smov.u32 s18;
	s13 =	sadd.s32 $0x1, s13;
	s12 =	smov.u32 s20  }
.LBB1_1:
0x27: {  	p1 =	sge.u32 s13, s7  }
0x28: {  	s31 =	sadd.s32 $0xFFFFFFFF, s13;
	s17 =	sshll.u32 @!p1 s11, $0x7  }
0x29: {  	s18 =	sxor.u32 @!p1 $0xFFFFFFFF, s13;
	s19 =	sand.u32 @!p1 $0x78, s10;
	s20 =	sand.u32 @!p1 $0x380, s17  }
0x2a: {  	s18 =	sshll.u32 @!p1 s18, $0xE;
	s19 =	sor.u32 @!p1 s19, s20;
	s20 =	sshll.u32 @!p1 s12, $0xD  }
0x2b: {  	s17 =	sand.u32 @!p1 $0x1C00, s17;
	s19 =	sshrl.u32 @!p1 s19, $0x3;
	s20 =	sadd.s32 @!p1 s4, s20  }
0x2c: {  	s17 =	sadd.s32 @!p1 s10, s17;
	s19 =	sadd.s32 @!p1 s19, s20;
	s20 =	sand.u32 @!p1 $0x7, s10  }
0x2d: {  	s18 =	sand.u32 @!p1 $0x4000, s18;
	s17 =	sand.u32 @!p1 $0x1F80, s17;
	s20 =	sshll.u32 @!p1 s20, $0x12  }
0x2e: {  	s17 =	sadd.s32 @!p1 s17, s19;
	s19 =	sor.u32 @!p1 $0x80, s20;
	s20 =	simm.s32 @!p1 $0x10000  }
0x2f: {  	[tilespmem:s18], [sflag:$0x1] =	stream.strided.gather @!p1 [hbm4b:s17+s19], $0x4000, s20, s19, $0x38;
	[tilespmem:$0x10100] =	vst v63  }
0x30: {  	p1 =	sge.u32 s31, s7  }
.Ltmp2:
0x31: {  	_ = 	snop;
	(pc) =	sbr.rel @p1 .LBB1_5-.Ltmp2, $1  }
0x32: {  	_ =	sdelay $0x3  }
0x33: {  	s17 =	simm.s32 $0x1  }
0x34: {  	_ =	swait.ge [sflag:s6], $0x4000;
	s17 =	simm.s32 @!p0 $0x0  }
0x35: {  	[sflag:s6] =	ssyncset.done $0x0;
	s18 =	sshll.u32 s17, $0xE  }
0x36: {  	[sflag:s6] =	ssyncadd.s32 $0xFFFFC000;
	s19 =	sor.u32 $0x40, s18  }
0x37: {  	s17 =	smul.u32 $0x10200, s17;
	v0 =	vld [tilespmem:s19+$0x30]  }
0x38: {  	v3 =	vld [tilespmem:s19+$0xFFFFFFD0]  }
0x39: {  	s17 =	sshrl.u32 s17, $0x2;
	v4 =	vld [tilespmem:s19+$0xFFFFFFE0]  }
0x3a: {  	v5 =	vld [tilespmem:s19+$0xFFFFFFF0];
	s18 =	sor.u32 $0x8000, s17  }
0x3b: {  	s31 =	sand.u32 $0x1, s13;
	v1 =	vld [tilespmem:s19+$0x0];
	s20 =	sadd.s32 $0x0, s18  }
0x3c: {  	v2 =	vld [tilespmem:s19+$0x10];
	s17 =	smul.u32 $0x10200, s31;
	[tilespmem:s20+$0x3870 ss:$0x81] =	vst.msk $0xffff, v0  }
0x3d: {  	[tilespmem:s20+$0x810 ss:$0x81] =	vst.msk $0xffff, v3;
	v3 =	vld [tilespmem:s19+$0x20]  }
0x3e: {  	s17 =	sshrl.u32 s17, $0x2;
	v0 =	vld [tilespmem:s19+$0xFFFFFFC0];
	[tilespmem:s20+$0x1020 ss:$0x81] =	vst.msk $0xffff, v4;
	s19 =	sadd.s32 $0x80, s19  }
0x3f: {  	s21 =	simm.s32 $0x4;
	s22 =	simm.s32 $0x8;
	s17 =	sor.u32 $0x8000, s17;
	[tilespmem:s20+$0x1830 ss:$0x81] =	vst.msk $0xffff, v5;
	v4 =	vld [tilespmem:s19+$0x30]  }
.LBB1_3:
0x40: {  	p1 =	sne.s32 s22, $0x1FC;
	v5 =	vld [tilespmem:s19+$0xFFFFFFD0];
	[tilespmem:s20+$0x2040 ss:$0x81] =	vst.msk $0xffff, v1  }
0x41: {  	v6 =	vld [tilespmem:s19+$0xFFFFFFE0];
	[tilespmem:s20+$0x2850 ss:$0x81] =	vst.msk $0xffff, v2  }
0x42: {  	s23 =	sshra.s32 s21, $0x2;
	s21 =	smov.u32 s22;
	v7 =	vld [tilespmem:s19+$0xFFFFFFF0];
	[tilespmem:s20+$0x3060 ss:$0x81] =	vst.msk $0xffff, v3  }
.Ltmp3:
0x43: {  	v1 =	vld [tilespmem:s19+$0x0];
	[tilespmem:s20+$0x0 ss:$0x81] =	vst.msk $0xffff, v0;
	s20 =	sadd.s32 s23, s18;
	(pc) =	sbr.rel @p1 .LBB1_3-.Ltmp3, $4  }
0x44: {  	v2 =	vld [tilespmem:s19+$0x10];
	[tilespmem:s20+$0x3870 ss:$0x81] =	vst.msk $0xffff, v4  }
0x45: {  	[tilespmem:s20+$0x810 ss:$0x81] =	vst.msk $0xffff, v5;
	v3 =	vld [tilespmem:s19+$0x20]  }
0x46: {  	v0 =	vld [tilespmem:s19+$0xFFFFFFC0];
	[tilespmem:s20+$0x1020 ss:$0x81] =	vst.msk $0xffff, v6;
	s19 =	sadd.s32 $0x80, s19  }
0x47: {  	s22 =	sadd.s32 $0x4, s22;
	v4 =	vld [tilespmem:s19+$0x30];
	[tilespmem:s20+$0x1830 ss:$0x81] =	vst.msk $0xffff, v7  }
.Ltmp4:
0x48: {  	_ = 	snop;
	(pc) =	sbr.rel .LBB1_4-.Ltmp4, $1  }
0x49: {  	_ =	sdelay $0x3  }
.LBB1_6:
0x4a: {  	_ =	sfence.sel $0x180000  }
0x4b: {  	s2 =	simm.s32 $0x1;
	[bflag:$0x0] =	sbarrier.arrive $0xFFFF  }
0x4c: {  	s31 =	simm.s32 $0x2;
	[sflag:s2] =	ssyncpa.u1 $0x1  }
0x4d: {  	[sflag:s31] =	ssyncpa.u1 $0x1  }
0x4e: {  	p0 =	sne.s32 s0, $0x0;
	_ =	strace $0x90000047  }
0x4f: {  	s0 =	sadd.s32 @!p0 $0x100000, s1;
	[bflag:$0x2] =	sbarrier.arrive $0xFFFF  }
0x50: {  	[sflag:s0] =	ssyncadd.tile.s32 @!p0 $0x1;
	_ =	shalt  }
.Lfunc_end1:
_tile_overlayer_lowered:
.L_overlay_start_2:
0x51: {  	(tag) =	ssettag $0x2  }
0x52: {  	s0 =	rddreg [dreg:$0x0];
	s2 =	stileid.u32  }
0x53: {  	s1 =	rddreg [dreg:$0x1];
	p0 =	sne.s32 s2, $0x0  }
0x54: {  	s3 =	rddreg [dreg:$0x2];
	[bflag:$0x3] =	sbarrier.arrive $0xFFFF;
	s2 =	simm.s32 @!p0 $0x1C01  }
0x55: {  	[timem:s3], [sflag:s2] =	dma.local @!p0 [hbm:s0], s1  }
0x56: {  	s0 =	simm.s32 @!p0 $0x1  }
0x57: {  	_ =	swait.ge @!p0 [sflag:s0], s1  }
0x58: {  	s1 =	ssub.s32 @!p0 $0x0, s1;
	[sflag:s0] =	ssyncset.done @!p0 $0x0  }
0x59: {  	[sflag:s0] =	ssyncadd.s32 @!p0 s1  }
0x5a: {  	[bflag:$0x3] =	sbarrier.arrive $0xFFFF  }
0x5b: {  	_ =	shalt  }

</sc_bundles>
